<compile_context>
chip_gen: v7x
topology: tpu7x:2x2x1
jax: 0.10.2.dev20260603
libtpu: 0.0.44.dev20260713+nightly
codegen_flags: <defaults>
</compile_context>

<pallas_src>
import functools

import jax
import jax.numpy as jnp
from jax import lax
from jax.experimental import pallas as pl
from jax.experimental.pallas import tpu as pltpu
from jax.experimental.pallas import tpu_sc as plsc

B = 16384
TYPE_VOCAB = 1000
DOMAIN_DIM = 16
TYPE_DIM = 8
DAY_DIM = 4
HIDDEN = 128
XW = 32

NC = 2
NS = 16
LANES = 16
NW = NC * NS
BPW = B // NW
GROUPS = BPW // LANES
DMA_CHUNK = 16
N_CHUNKS = BPW // DMA_CHUNK


def _sc_fuse_body(dom_t, typ_tab, day_tab, dom_id, typ_id, day_id,
                  hour, karma, desc, x_out,
                  didx_v, tiles_v, tid_v, did_v, hr_v, ka_v, de_v,
                  ttab_v, dtab_v, xblk_v, sem):
    wid = lax.axis_index("s") * NC + lax.axis_index("c")
    base = wid * BPW

    pltpu.sync_copy(dom_id.at[pl.ds(base, BPW)], didx_v)
    pltpu.sync_copy(typ_id.at[pl.ds(base, BPW)], tid_v)
    pltpu.sync_copy(day_id.at[pl.ds(base, BPW)], did_v)
    pltpu.sync_copy(hour.at[pl.ds(base, BPW)], hr_v)
    pltpu.sync_copy(karma.at[pl.ds(base, BPW)], ka_v)
    pltpu.sync_copy(desc.at[pl.ds(base, BPW)], de_v)
    pltpu.sync_copy(typ_tab, ttab_v)
    pltpu.sync_copy(day_tab, dtab_v)

    lane = lax.iota(jnp.int32, LANES)
    zeros16 = jnp.zeros((LANES,), jnp.float32)

    def fire(ch):
        ids = didx_v[pl.ds(ch * DMA_CHUNK, DMA_CHUNK)]
        ks = lax.shift_right_logical(ids, 7)
        slot_base = (ch % 3) * DMA_CHUNK
        for j in range(DMA_CHUNK):
            off = pl.multiple_of(ks[j] * 128, 128)
            pltpu.async_copy(dom_t.at[:, pl.ds(off, 128)],
                             tiles_v.at[slot_base + j], sem)

    def extract(ch):
        ids = didx_v[pl.ds(ch * DMA_CHUNK, DMA_CHUNK)]
        ls = ids & 127
        slot_base = (ch % 3) * DMA_CHUNK
        for j in range(DMA_CHUNK):
            pltpu.make_async_copy(dom_t.at[:, pl.ds(0, 128)],
                                  tiles_v.at[slot_base + j], sem).wait()
        for j in range(DMA_CHUNK):
            i = ch * DMA_CHUNK + j
            v = plsc.load_gather(
                tiles_v, [jnp.broadcast_to(slot_base + j, (LANES,)),
                          lane, jnp.broadcast_to(ls[j], (LANES,))])
            xblk_v[pl.ds(i * XW, DOMAIN_DIM)] = v

    def feature_group(g):
        rows = (g * LANES + lane) * XW

        tids = tid_v[pl.ds(g * LANES, LANES)]
        tsrc = tids * TYPE_DIM
        for j in range(TYPE_DIM):
            v = plsc.load_gather(ttab_v, [tsrc + j])
            plsc.store_scatter(xblk_v, [rows + (DOMAIN_DIM + j)], v)

        dids = did_v[pl.ds(g * LANES, LANES)]
        dsrc = dids * DAY_DIM
        for j in range(DAY_DIM):
            v = plsc.load_gather(dtab_v, [dsrc + j])
            plsc.store_scatter(xblk_v, [rows + (DOMAIN_DIM + TYPE_DIM + j)],
                               v)

        sl = pl.ds(g * LANES, LANES)
        plsc.store_scatter(xblk_v, [rows + 28], hr_v[sl])
        plsc.store_scatter(xblk_v, [rows + 29], ka_v[sl])
        plsc.store_scatter(xblk_v, [rows + 30], de_v[sl])
        plsc.store_scatter(xblk_v, [rows + 31], zeros16)

    def pipe(ch, _):
        @pl.when(ch < N_CHUNKS)
        def _():
            fire(ch)
            feature_group(ch)

        @pl.when(ch > 1)
        def _():
            extract(ch - 2)

        return ()

    lax.fori_loop(0, N_CHUNKS + 2, pipe, (), unroll=False)

    pltpu.sync_copy(xblk_v, x_out.at[pl.ds(base * XW, BPW * XW)])


_sc_fuse = functools.partial(
    pl.kernel,
    out_type=jax.ShapeDtypeStruct((B * XW,), jnp.float32),
    mesh=plsc.VectorSubcoreMesh(core_axis_name="c", subcore_axis_name="s"),
    compiler_params=pltpu.CompilerParams(needs_layout_passes=False,
                                         use_tc_tiling_on_sc=True),
    scratch_types=(
        pltpu.VMEM((BPW,), jnp.int32),
        pltpu.VMEM((3 * DMA_CHUNK, DOMAIN_DIM, 128), jnp.float32),
        pltpu.VMEM((BPW,), jnp.int32),
        pltpu.VMEM((BPW,), jnp.int32),
        pltpu.VMEM((BPW,), jnp.float32),
        pltpu.VMEM((BPW,), jnp.float32),
        pltpu.VMEM((BPW,), jnp.float32),
        pltpu.VMEM((TYPE_VOCAB * TYPE_DIM,), jnp.float32),
        pltpu.VMEM((8 * DAY_DIM,), jnp.float32),
        pltpu.VMEM((BPW * XW,), jnp.float32),
        pltpu.SemaphoreType.DMA,
    ),
)(_sc_fuse_body)


BLK = 4096


def _mlp_body(x_ref, w1_ref, b1_ref, w2_ref, b2_ref, out_ref):
    h = jnp.dot(x_ref[...], w1_ref[...], preferred_element_type=jnp.float32)
    h = jnp.maximum(h + b1_ref[...], 0.0)
    out = jnp.dot(h, w2_ref[...], preferred_element_type=jnp.float32)
    out_ref[...] = out[:, 0] + b2_ref[0, 0]


def kernel(type_id, day_of_week_id, domain_id, hour_of_day, karma, descendants,
           type_table, day_table, domain_table, W1, b1, W2, b2):
    type_id = type_id.astype(jnp.int32)
    day_of_week_id = day_of_week_id.astype(jnp.int32)
    domain_id = domain_id.astype(jnp.int32)
    day_pad = jnp.pad(day_table, ((0, 8 - day_table.shape[0]), (0, 0)))

    x = _sc_fuse(domain_table.T, type_table.reshape(-1), day_pad.reshape(-1),
                 domain_id, type_id, day_of_week_id,
                 hour_of_day, karma, descendants)
    x = x.reshape(B, XW)

    w1p = jnp.concatenate(
        [W1[TYPE_DIM + DAY_DIM:TYPE_DIM + DAY_DIM + DOMAIN_DIM],
         W1[0:TYPE_DIM],
         W1[TYPE_DIM:TYPE_DIM + DAY_DIM],
         W1[28:31],
         jnp.zeros((1, HIDDEN), jnp.float32)], axis=0)

    row_blk = lambda i: (i, 0)
    whole = lambda i: (0, 0)
    out = pl.pallas_call(
        _mlp_body,
        grid=(B // BLK,),
        in_specs=[
            pl.BlockSpec((BLK, XW), row_blk),
            pl.BlockSpec((XW, HIDDEN), whole),
            pl.BlockSpec((1, HIDDEN), whole),
            pl.BlockSpec((HIDDEN, 1), whole),
            pl.BlockSpec((1, 1), whole),
        ],
        out_specs=pl.BlockSpec((BLK,), lambda i: (i,)),
        out_shape=jax.ShapeDtypeStruct((B,), jnp.float32),
    )(x, w1p, b1[None, :], W2, b2[None, None, 0])
    return out

# --- scband reference (transcript-rebuilt; emitter-appended) ---
"""Pipeline reference for scband-feature-fusion-regression-model-51745765982494 (READ-ONLY COPY).

The authoritative reference and input builder live on the scoring server;
editing this copy changes nothing except your own understanding.
"""

import jax, jax.numpy as jnp
import numpy as np

B = 16384
TYPE_VOCAB = 1000
DAY_VOCAB = 7
DOMAIN_VOCAB = 1000000
TYPE_DIM = 8
DAY_DIM = 4
DOMAIN_DIM = 16
HIDDEN = 128
IN_DIM = TYPE_DIM + DAY_DIM + DOMAIN_DIM + 3


def setup_inputs(seed: int = 0) -> dict:
    key = jax.random.key(seed)
    ks = jax.random.split(key, 12)
    type_id = jax.random.randint(ks[0], (B,), 0, TYPE_VOCAB)
    day_of_week_id = jax.random.randint(ks[1], (B,), 0, DAY_VOCAB)
    domain_id = jax.random.randint(ks[2], (B,), 0, DOMAIN_VOCAB)
    hour_of_day = jax.random.uniform(ks[3], (B,), dtype=jnp.float32)
    karma = jax.random.normal(ks[4], (B,), dtype=jnp.float32)
    descendants = jax.random.normal(ks[5], (B,), dtype=jnp.float32)
    type_table = jax.random.normal(ks[6], (TYPE_VOCAB, TYPE_DIM), dtype=jnp.float32) * 0.02
    day_table = jax.random.normal(ks[7], (DAY_VOCAB, DAY_DIM), dtype=jnp.float32) * 0.02
    domain_table = jax.random.normal(ks[8], (DOMAIN_VOCAB, DOMAIN_DIM), dtype=jnp.float32) * 0.02
    W1 = jax.random.normal(ks[9], (IN_DIM, HIDDEN), dtype=jnp.float32) * (1.0 / np.sqrt(IN_DIM))
    b1 = jnp.zeros((HIDDEN,), dtype=jnp.float32)
    W2 = jax.random.normal(ks[10], (HIDDEN, 1), dtype=jnp.float32) * (1.0 / np.sqrt(HIDDEN))
    b2 = jnp.zeros((1,), dtype=jnp.float32)
    return {
        "type_id": type_id,
        "day_of_week_id": day_of_week_id,
        "domain_id": domain_id,
        "hour_of_day": hour_of_day,
        "karma": karma,
        "descendants": descendants,
        "type_table": type_table,
        "day_table": day_table,
        "domain_table": domain_table,
        "W1": W1,
        "b1": b1,
        "W2": W2,
        "b2": b2,
    }


def reference(type_id, day_of_week_id, domain_id, hour_of_day, karma, descendants,
              type_table, day_table, domain_table, W1, b1, W2, b2):
    type_emb = jnp.take(type_table, type_id, axis=0)
    day_emb = jnp.take(day_table, day_of_week_id, axis=0)
    domain_emb = jnp.take(domain_table, domain_id, axis=0)
    num_feats = jnp.stack([hour_of_day, karma, descendants], axis=1).astype(jnp.float32)
    x = jnp.concatenate([type_emb, day_emb, domain_emb, num_feats], axis=1)
    h = jax.nn.relu(x @ W1 + b1)
    out = h @ W2 + b2
    return out.squeeze(-1)

if __name__ == "__main__":
    import jax
    _d = setup_inputs()
    print(jax.jit(kernel)(*tuple(_d.values())))

</pallas_src>

<mosaic_0001>
#map = affine_map<(d0, d1) -> (0, 0)>
#map1 = affine_map<(d0, d1) -> (0)>
module attributes {stable_mosaic.version = 14 : i64} {
  func.func @_sc_fuse_body(%arg0: i32, %arg1: i32, %arg2: memref<16x1000000xf32, #tpu.memory_space<hbm>>, %arg3: memref<8000xf32, #tpu.memory_space<hbm>>, %arg4: memref<32xf32, #tpu.memory_space<hbm>>, %arg5: memref<16384xi32, #tpu.memory_space<hbm>>, %arg6: memref<16384xi32, #tpu.memory_space<hbm>>, %arg7: memref<16384xi32, #tpu.memory_space<hbm>>, %arg8: memref<16384xf32, #tpu.memory_space<hbm>>, %arg9: memref<16384xf32, #tpu.memory_space<hbm>>, %arg10: memref<16384xf32, #tpu.memory_space<hbm>>, %arg11: memref<524288xf32, #tpu.memory_space<hbm>>, %arg12: memref<512xi32, #tpu.memory_space<vmem>>, %arg13: memref<48x16x128xf32, #tpu.memory_space<vmem>>, %arg14: memref<512xi32, #tpu.memory_space<vmem>>, %arg15: memref<512xi32, #tpu.memory_space<vmem>>, %arg16: memref<512xf32, #tpu.memory_space<vmem>>, %arg17: memref<512xf32, #tpu.memory_space<vmem>>, %arg18: memref<512xf32, #tpu.memory_space<vmem>>, %arg19: memref<8000xf32, #tpu.memory_space<vmem>>, %arg20: memref<32xf32, #tpu.memory_space<vmem>>, %arg21: memref<16384xf32, #tpu.memory_space<vmem>>, %arg22: memref<!tpu.dma_semaphore, #tpu.memory_space<semaphore_mem>>) attributes {dimension_semantics = [#tpu.dimension_semantics<core_parallel>, #tpu.dimension_semantics<subcore_parallel>], iteration_bounds = array<i64: 2, 16>, scalar_prefetch = 0 : i64, scratch_operands = 11 : i64, tpu.core_type = #tpu.core_type<sc_vector_subcore>, window_params = [{transform_indices = #map}, {transform_indices = #map1}, {transform_indices = #map1}, {transform_indices = #map1}, {transform_indices = #map1}, {transform_indices = #map1}, {transform_indices = #map1}, {transform_indices = #map1}, {transform_indices = #map1}, {transform_indices = #map1}]} {
    %mul3A = arith.constant 2 : i32
    %mul3A_0 = arith.muli %arg1, %mul3A : i32
    %add3A = arith.addi %mul3A_0, %arg0 : i32
    %mul3A_1 = arith.constant 512 : i32
    %mul3A_2 = arith.muli %add3A, %mul3A_1 : i32
    "tpu.region"() ({
      %run_scoped3A = tpu.sem_alloc : memref<!tpu.dma_semaphore, #tpu.memory_space<semaphore_mem>>
      %dma_start3A = tpu.memref_slice %arg5[%mul3A_2] : memref<16384xi32, #tpu.memory_space<hbm>> -> memref<512xi32, #tpu.memory_space<hbm>>
      %dma_start3A_10 = tpu.memref_slice %arg5[%mul3A_2] : memref<16384xi32, #tpu.memory_space<hbm>> -> memref<512xi32, #tpu.memory_space<hbm>>
      tpu.enqueue_dma source(%dma_start3A_10 : memref<512xi32, #tpu.memory_space<hbm>>) target(%arg12 : memref<512xi32, #tpu.memory_space<vmem>>) target_semaphore(%run_scoped3A : memref<!tpu.dma_semaphore, #tpu.memory_space<semaphore_mem>>)
      %dma_wait3A = tpu.memref_slice %arg5[%mul3A_2] : memref<16384xi32, #tpu.memory_space<hbm>> -> memref<512xi32, #tpu.memory_space<hbm>>
      %dma_wait3A_11 = tpu.memref_slice %arg5[%mul3A_2] : memref<16384xi32, #tpu.memory_space<hbm>> -> memref<512xi32, #tpu.memory_space<hbm>>
      tpu.wait_dma2 semaphore(%run_scoped3A : memref<!tpu.dma_semaphore, #tpu.memory_space<semaphore_mem>>) src(%dma_wait3A_11 : memref<512xi32, #tpu.memory_space<hbm>>) dst(%arg12 : memref<512xi32, #tpu.memory_space<vmem>>)
      tpu.yield
    }) : () -> ()
    "tpu.region"() ({
      %run_scoped3A = tpu.sem_alloc : memref<!tpu.dma_semaphore, #tpu.memory_space<semaphore_mem>>
      %dma_start3A = tpu.memref_slice %arg6[%mul3A_2] : memref<16384xi32, #tpu.memory_space<hbm>> -> memref<512xi32, #tpu.memory_space<hbm>>
      %dma_start3A_10 = tpu.memref_slice %arg6[%mul3A_2] : memref<16384xi32, #tpu.memory_space<hbm>> -> memref<512xi32, #tpu.memory_space<hbm>>
      tpu.enqueue_dma source(%dma_start3A_10 : memref<512xi32, #tpu.memory_space<hbm>>) target(%arg14 : memref<512xi32, #tpu.memory_space<vmem>>) target_semaphore(%run_scoped3A : memref<!tpu.dma_semaphore, #tpu.memory_space<semaphore_mem>>)
      %dma_wait3A = tpu.memref_slice %arg6[%mul3A_2] : memref<16384xi32, #tpu.memory_space<hbm>> -> memref<512xi32, #tpu.memory_space<hbm>>
      %dma_wait3A_11 = tpu.memref_slice %arg6[%mul3A_2] : memref<16384xi32, #tpu.memory_space<hbm>> -> memref<512xi32, #tpu.memory_space<hbm>>
      tpu.wait_dma2 semaphore(%run_scoped3A : memref<!tpu.dma_semaphore, #tpu.memory_space<semaphore_mem>>) src(%dma_wait3A_11 : memref<512xi32, #tpu.memory_space<hbm>>) dst(%arg14 : memref<512xi32, #tpu.memory_space<vmem>>)
      tpu.yield
    }) : () -> ()
    "tpu.region"() ({
      %run_scoped3A = tpu.sem_alloc : memref<!tpu.dma_semaphore, #tpu.memory_space<semaphore_mem>>
      %dma_start3A = tpu.memref_slice %arg7[%mul3A_2] : memref<16384xi32, #tpu.memory_space<hbm>> -> memref<512xi32, #tpu.memory_space<hbm>>
      %dma_start3A_10 = tpu.memref_slice %arg7[%mul3A_2] : memref<16384xi32, #tpu.memory_space<hbm>> -> memref<512xi32, #tpu.memory_space<hbm>>
      tpu.enqueue_dma source(%dma_start3A_10 : memref<512xi32, #tpu.memory_space<hbm>>) target(%arg15 : memref<512xi32, #tpu.memory_space<vmem>>) target_semaphore(%run_scoped3A : memref<!tpu.dma_semaphore, #tpu.memory_space<semaphore_mem>>)
      %dma_wait3A = tpu.memref_slice %arg7[%mul3A_2] : memref<16384xi32, #tpu.memory_space<hbm>> -> memref<512xi32, #tpu.memory_space<hbm>>
      %dma_wait3A_11 = tpu.memref_slice %arg7[%mul3A_2] : memref<16384xi32, #tpu.memory_space<hbm>> -> memref<512xi32, #tpu.memory_space<hbm>>
      tpu.wait_dma2 semaphore(%run_scoped3A : memref<!tpu.dma_semaphore, #tpu.memory_space<semaphore_mem>>) src(%dma_wait3A_11 : memref<512xi32, #tpu.memory_space<hbm>>) dst(%arg15 : memref<512xi32, #tpu.memory_space<vmem>>)
      tpu.yield
    }) : () -> ()
    "tpu.region"() ({
      %run_scoped3A = tpu.sem_alloc : memref<!tpu.dma_semaphore, #tpu.memory_space<semaphore_mem>>
      %dma_start3A = tpu.memref_slice %arg8[%mul3A_2] : memref<16384xf32, #tpu.memory_space<hbm>> -> memref<512xf32, #tpu.memory_space<hbm>>
      %dma_start3A_10 = tpu.memref_slice %arg8[%mul3A_2] : memref<16384xf32, #tpu.memory_space<hbm>> -> memref<512xf32, #tpu.memory_space<hbm>>
      tpu.enqueue_dma source(%dma_start3A_10 : memref<512xf32, #tpu.memory_space<hbm>>) target(%arg16 : memref<512xf32, #tpu.memory_space<vmem>>) target_semaphore(%run_scoped3A : memref<!tpu.dma_semaphore, #tpu.memory_space<semaphore_mem>>)
      %dma_wait3A = tpu.memref_slice %arg8[%mul3A_2] : memref<16384xf32, #tpu.memory_space<hbm>> -> memref<512xf32, #tpu.memory_space<hbm>>
      %dma_wait3A_11 = tpu.memref_slice %arg8[%mul3A_2] : memref<16384xf32, #tpu.memory_space<hbm>> -> memref<512xf32, #tpu.memory_space<hbm>>
      tpu.wait_dma2 semaphore(%run_scoped3A : memref<!tpu.dma_semaphore, #tpu.memory_space<semaphore_mem>>) src(%dma_wait3A_11 : memref<512xf32, #tpu.memory_space<hbm>>) dst(%arg16 : memref<512xf32, #tpu.memory_space<vmem>>)
      tpu.yield
    }) : () -> ()
    "tpu.region"() ({
      %run_scoped3A = tpu.sem_alloc : memref<!tpu.dma_semaphore, #tpu.memory_space<semaphore_mem>>
      %dma_start3A = tpu.memref_slice %arg9[%mul3A_2] : memref<16384xf32, #tpu.memory_space<hbm>> -> memref<512xf32, #tpu.memory_space<hbm>>
      %dma_start3A_10 = tpu.memref_slice %arg9[%mul3A_2] : memref<16384xf32, #tpu.memory_space<hbm>> -> memref<512xf32, #tpu.memory_space<hbm>>
      tpu.enqueue_dma source(%dma_start3A_10 : memref<512xf32, #tpu.memory_space<hbm>>) target(%arg17 : memref<512xf32, #tpu.memory_space<vmem>>) target_semaphore(%run_scoped3A : memref<!tpu.dma_semaphore, #tpu.memory_space<semaphore_mem>>)
      %dma_wait3A = tpu.memref_slice %arg9[%mul3A_2] : memref<16384xf32, #tpu.memory_space<hbm>> -> memref<512xf32, #tpu.memory_space<hbm>>
      %dma_wait3A_11 = tpu.memref_slice %arg9[%mul3A_2] : memref<16384xf32, #tpu.memory_space<hbm>> -> memref<512xf32, #tpu.memory_space<hbm>>
      tpu.wait_dma2 semaphore(%run_scoped3A : memref<!tpu.dma_semaphore, #tpu.memory_space<semaphore_mem>>) src(%dma_wait3A_11 : memref<512xf32, #tpu.memory_space<hbm>>) dst(%arg17 : memref<512xf32, #tpu.memory_space<vmem>>)
      tpu.yield
    }) : () -> ()
    "tpu.region"() ({
      %run_scoped3A = tpu.sem_alloc : memref<!tpu.dma_semaphore, #tpu.memory_space<semaphore_mem>>
      %dma_start3A = tpu.memref_slice %arg10[%mul3A_2] : memref<16384xf32, #tpu.memory_space<hbm>> -> memref<512xf32, #tpu.memory_space<hbm>>
      %dma_start3A_10 = tpu.memref_slice %arg10[%mul3A_2] : memref<16384xf32, #tpu.memory_space<hbm>> -> memref<512xf32, #tpu.memory_space<hbm>>
      tpu.enqueue_dma source(%dma_start3A_10 : memref<512xf32, #tpu.memory_space<hbm>>) target(%arg18 : memref<512xf32, #tpu.memory_space<vmem>>) target_semaphore(%run_scoped3A : memref<!tpu.dma_semaphore, #tpu.memory_space<semaphore_mem>>)
      %dma_wait3A = tpu.memref_slice %arg10[%mul3A_2] : memref<16384xf32, #tpu.memory_space<hbm>> -> memref<512xf32, #tpu.memory_space<hbm>>
      %dma_wait3A_11 = tpu.memref_slice %arg10[%mul3A_2] : memref<16384xf32, #tpu.memory_space<hbm>> -> memref<512xf32, #tpu.memory_space<hbm>>
      tpu.wait_dma2 semaphore(%run_scoped3A : memref<!tpu.dma_semaphore, #tpu.memory_space<semaphore_mem>>) src(%dma_wait3A_11 : memref<512xf32, #tpu.memory_space<hbm>>) dst(%arg18 : memref<512xf32, #tpu.memory_space<vmem>>)
      tpu.yield
    }) : () -> ()
    "tpu.region"() ({
      %run_scoped3A = tpu.sem_alloc : memref<!tpu.dma_semaphore, #tpu.memory_space<semaphore_mem>>
      tpu.enqueue_dma source(%arg3 : memref<8000xf32, #tpu.memory_space<hbm>>) target(%arg19 : memref<8000xf32, #tpu.memory_space<vmem>>) target_semaphore(%run_scoped3A : memref<!tpu.dma_semaphore, #tpu.memory_space<semaphore_mem>>)
      tpu.wait_dma2 semaphore(%run_scoped3A : memref<!tpu.dma_semaphore, #tpu.memory_space<semaphore_mem>>) src(%arg3 : memref<8000xf32, #tpu.memory_space<hbm>>) dst(%arg19 : memref<8000xf32, #tpu.memory_space<vmem>>)
      tpu.yield
    }) : () -> ()
    "tpu.region"() ({
      %run_scoped3A = tpu.sem_alloc : memref<!tpu.dma_semaphore, #tpu.memory_space<semaphore_mem>>
      tpu.enqueue_dma source(%arg4 : memref<32xf32, #tpu.memory_space<hbm>>) target(%arg20 : memref<32xf32, #tpu.memory_space<vmem>>) target_semaphore(%run_scoped3A : memref<!tpu.dma_semaphore, #tpu.memory_space<semaphore_mem>>)
      tpu.wait_dma2 semaphore(%run_scoped3A : memref<!tpu.dma_semaphore, #tpu.memory_space<semaphore_mem>>) src(%arg4 : memref<32xf32, #tpu.memory_space<hbm>>) dst(%arg20 : memref<32xf32, #tpu.memory_space<vmem>>)
      tpu.yield
    }) : () -> ()
    %iota3A = tpu.iota {dimensions = array<i32: 0>} : vector<16xi32>
    %broadcast_in_dim3A = arith.constant 0.000000e+00 : f32
    %broadcast_in_dim3A_3 = vector.broadcast %broadcast_in_dim3A : f32 to vector<16xf32>
    %scan3A = arith.constant 0 : i32
    %scan3A_4 = arith.constant 34 : i32
    %scan3A_5 = arith.addi %scan3A, %scan3A_4 : i32
    %scan3A_6 = arith.constant 1 : i32
    scf.for %scan3A_10 = %scan3A to %scan3A_5 step %scan3A_6  : i32 {
      %lt3A = arith.constant 32 : i32
      %lt3A_11 = arith.cmpi slt, %scan3A_10, %lt3A : i32
      %convert_element_type3A = arith.extui %lt3A_11 : i1 to i32
      %cond3A = arith.constant 0 : i32
      %cond3A_12 = arith.cmpi ne, %convert_element_type3A, %cond3A : i32
      scf.if %cond3A_12 {
        %mul3A_17 = arith.constant 16 : i32
        %mul3A_18 = arith.muli %scan3A_10, %mul3A_17 : i32
        %get3A = arith.index_cast %mul3A_18 : i32 to index
        %get3A_19 = tpu.vector_load %arg12[%get3A] {strides = array<i32>} : memref<512xi32, #tpu.memory_space<vmem>>, vector<16xi32>,
        %shift_right_logical3A = arith.constant 7 : i32
        %shift_right_logical3A_20 = vector.broadcast %shift_right_logical3A : i32 to vector<16xi32>
        %shift_right_logical3A_21 = arith.shrui %get3A_19, %shift_right_logical3A_20 : vector<16xi32>
        %jit3A = arith.constant 3 : i32
        %eq3A = arith.constant 0 : i32
        %eq3A_22 = arith.cmpi eq, %jit3A, %eq3A : i32
        %jit3A_23 = arith.constant 1 : i32
        %select_n3A = arith.select %eq3A_22, %jit3A_23, %jit3A : i32
        %rem3A = arith.remsi %scan3A_10, %select_n3A : i32
        %ne3A = arith.constant 0 : i32
        %ne3A_24 = arith.cmpi ne, %rem3A, %ne3A : i32
        %lt3A_25 = arith.constant 0 : i32
        %lt3A_26 = arith.cmpi slt, %rem3A, %lt3A_25 : i32
        %lt3A_27 = arith.constant 0 : i32
        %lt3A_28 = arith.cmpi slt, %select_n3A, %lt3A_27 : i32
        %ne3A_29 = arith.xori %lt3A_26, %lt3A_28 : i1
        %and3A = arith.andi %ne3A_29, %ne3A_24 : i1
        %add3A_30 = arith.addi %rem3A, %select_n3A : i32
        %select_n3A_31 = arith.select %and3A, %add3A_30, %rem3A : i32
        %mul3A_32 = arith.constant 16 : i32
        %mul3A_33 = arith.muli %select_n3A_31, %mul3A_32 : i32
        %slice3A = vector.extract_strided_slice %shift_right_logical3A_21 {offsets = [0], sizes = [1], strides = [1]} : vector<16xi32> to vector<1xi32>
        %squeeze3A = vector.extract %slice3A[0] : i32 from vector<1xi32>
        %mul3A_34 = arith.constant 128 : i32
        %mul3A_35 = arith.muli %squeeze3A, %mul3A_34 : i32
        %multiple_of3A = tpu.assume_multiple %mul3A_35, 128 : i32
        %add3A_36 = arith.constant 0 : i32
        %add3A_37 = arith.addi %mul3A_33, %add3A_36 : i32
        %dma_start3A = arith.constant 0 : i32
        %dma_start3A_38 = arith.constant 0 : i32
        %dma_start3A_39 = tpu.memref_slice %arg13[%add3A_37, %dma_start3A, %dma_start3A_38] : memref<48x16x128xf32, #tpu.memory_space<vmem>> -> memref<1x16x128xf32, #tpu.memory_space<vmem>>
        %dma_start3A_40 = tpu.memref_squeeze %dma_start3A_39 : memref<1x16x128xf32, #tpu.memory_space<vmem>> -> memref<16x128xf32, #tpu.memory_space<vmem>>
        %dma_start3A_41 = arith.constant 0 : i32
        %dma_start3A_42 = tpu.memref_slice %arg2[%dma_start3A_41, %multiple_of3A] : memref<16x1000000xf32, #tpu.memory_space<hbm>> -> memref<16x128xf32, #tpu.memory_space<hbm>>
        %dma_start3A_43 = arith.constant 0 : i32
        %dma_start3A_44 = arith.constant 0 : i32
        %dma_start3A_45 = tpu.memref_slice %arg13[%add3A_37, %dma_start3A_43, %dma_start3A_44] : memref<48x16x128xf32, #tpu.memory_space<vmem>> -> memref<1x16x128xf32, #tpu.memory_space<vmem>>
        %dma_start3A_46 = tpu.memref_squeeze %dma_start3A_45 : memref<1x16x128xf32, #tpu.memory_space<vmem>> -> memref<16x128xf32, #tpu.memory_space<vmem>>
        %dma_start3A_47 = arith.constant 0 : i32
        %dma_start3A_48 = tpu.memref_slice %arg2[%dma_start3A_47, %multiple_of3A] : memref<16x1000000xf32, #tpu.memory_space<hbm>> -> memref<16x128xf32, #tpu.memory_space<hbm>>
        tpu.enqueue_dma source(%dma_start3A_48 : memref<16x128xf32, #tpu.memory_space<hbm>>) target(%dma_start3A_46 : memref<16x128xf32, #tpu.memory_space<vmem>>) target_semaphore(%arg22 : memref<!tpu.dma_semaphore, #tpu.memory_space<semaphore_mem>>)
        %slice3A_49 = vector.extract_strided_slice %shift_right_logical3A_21 {offsets = [1], sizes = [1], strides = [1]} : vector<16xi32> to vector<1xi32>
        %squeeze3A_50 = vector.extract %slice3A_49[0] : i32 from vector<1xi32>
        %mul3A_51 = arith.constant 128 : i32
        %mul3A_52 = arith.muli %squeeze3A_50, %mul3A_51 : i32
        %multiple_of3A_53 = tpu.assume_multiple %mul3A_52, 128 : i32
        %add3A_54 = arith.constant 1 : i32
        %add3A_55 = arith.addi %mul3A_33, %add3A_54 : i32
        %dma_start3A_56 = arith.constant 0 : i32
        %dma_start3A_57 = arith.constant 0 : i32
        %dma_start3A_58 = tpu.memref_slice %arg13[%add3A_55, %dma_start3A_56, %dma_start3A_57] : memref<48x16x128xf32, #tpu.memory_space<vmem>> -> memref<1x16x128xf32, #tpu.memory_space<vmem>>
        %dma_start3A_59 = tpu.memref_squeeze %dma_start3A_58 : memref<1x16x128xf32, #tpu.memory_space<vmem>> -> memref<16x128xf32, #tpu.memory_space<vmem>>
        %dma_start3A_60 = arith.constant 0 : i32
        %dma_start3A_61 = tpu.memref_slice %arg2[%dma_start3A_60, %multiple_of3A_53] : memref<16x1000000xf32, #tpu.memory_space<hbm>> -> memref<16x128xf32, #tpu.memory_space<hbm>>
        %dma_start3A_62 = arith.constant 0 : i32
        %dma_start3A_63 = arith.constant 0 : i32
        %dma_start3A_64 = tpu.memref_slice %arg13[%add3A_55, %dma_start3A_62, %dma_start3A_63] : memref<48x16x128xf32, #tpu.memory_space<vmem>> -> memref<1x16x128xf32, #tpu.memory_space<vmem>>
        %dma_start3A_65 = tpu.memref_squeeze %dma_start3A_64 : memref<1x16x128xf32, #tpu.memory_space<vmem>> -> memref<16x128xf32, #tpu.memory_space<vmem>>
        %dma_start3A_66 = arith.constant 0 : i32
        %dma_start3A_67 = tpu.memref_slice %arg2[%dma_start3A_66, %multiple_of3A_53] : memref<16x1000000xf32, #tpu.memory_space<hbm>> -> memref<16x128xf32, #tpu.memory_space<hbm>>
        tpu.enqueue_dma source(%dma_start3A_67 : memref<16x128xf32, #tpu.memory_space<hbm>>) target(%dma_start3A_65 : memref<16x128xf32, #tpu.memory_space<vmem>>) target_semaphore(%arg22 : memref<!tpu.dma_semaphore, #tpu.memory_space<semaphore_mem>>)
        %slice3A_68 = vector.extract_strided_slice %shift_right_logical3A_21 {offsets = [2], sizes = [1], strides = [1]} : vector<16xi32> to vector<1xi32>
        %squeeze3A_69 = vector.extract %slice3A_68[0] : i32 from vector<1xi32>
        %mul3A_70 = arith.constant 128 : i32
        %mul3A_71 = arith.muli %squeeze3A_69, %mul3A_70 : i32
        %multiple_of3A_72 = tpu.assume_multiple %mul3A_71, 128 : i32
        %add3A_73 = arith.constant 2 : i32
        %add3A_74 = arith.addi %mul3A_33, %add3A_73 : i32
        %dma_start3A_75 = arith.constant 0 : i32
        %dma_start3A_76 = arith.constant 0 : i32
        %dma_start3A_77 = tpu.memref_slice %arg13[%add3A_74, %dma_start3A_75, %dma_start3A_76] : memref<48x16x128xf32, #tpu.memory_space<vmem>> -> memref<1x16x128xf32, #tpu.memory_space<vmem>>
        %dma_start3A_78 = tpu.memref_squeeze %dma_start3A_77 : memref<1x16x128xf32, #tpu.memory_space<vmem>> -> memref<16x128xf32, #tpu.memory_space<vmem>>
        %dma_start3A_79 = arith.constant 0 : i32
        %dma_start3A_80 = tpu.memref_slice %arg2[%dma_start3A_79, %multiple_of3A_72] : memref<16x1000000xf32, #tpu.memory_space<hbm>> -> memref<16x128xf32, #tpu.memory_space<hbm>>
        %dma_start3A_81 = arith.constant 0 : i32
        %dma_start3A_82 = arith.constant 0 : i32
        %dma_start3A_83 = tpu.memref_slice %arg13[%add3A_74, %dma_start3A_81, %dma_start3A_82] : memref<48x16x128xf32, #tpu.memory_space<vmem>> -> memref<1x16x128xf32, #tpu.memory_space<vmem>>
        %dma_start3A_84 = tpu.memref_squeeze %dma_start3A_83 : memref<1x16x128xf32, #tpu.memory_space<vmem>> -> memref<16x128xf32, #tpu.memory_space<vmem>>
        %dma_start3A_85 = arith.constant 0 : i32
        %dma_start3A_86 = tpu.memref_slice %arg2[%dma_start3A_85, %multiple_of3A_72] : memref<16x1000000xf32, #tpu.memory_space<hbm>> -> memref<16x128xf32, #tpu.memory_space<hbm>>
        tpu.enqueue_dma source(%dma_start3A_86 : memref<16x128xf32, #tpu.memory_space<hbm>>) target(%dma_start3A_84 : memref<16x128xf32, #tpu.memory_space<vmem>>) target_semaphore(%arg22 : memref<!tpu.dma_semaphore, #tpu.memory_space<semaphore_mem>>)
        %slice3A_87 = vector.extract_strided_slice %shift_right_logical3A_21 {offsets = [3], sizes = [1], strides = [1]} : vector<16xi32> to vector<1xi32>
        %squeeze3A_88 = vector.extract %slice3A_87[0] : i32 from vector<1xi32>
        %mul3A_89 = arith.constant 128 : i32
        %mul3A_90 = arith.muli %squeeze3A_88, %mul3A_89 : i32
        %multiple_of3A_91 = tpu.assume_multiple %mul3A_90, 128 : i32
        %add3A_92 = arith.constant 3 : i32
        %add3A_93 = arith.addi %mul3A_33, %add3A_92 : i32
        %dma_start3A_94 = arith.constant 0 : i32
        %dma_start3A_95 = arith.constant 0 : i32
        %dma_start3A_96 = tpu.memref_slice %arg13[%add3A_93, %dma_start3A_94, %dma_start3A_95] : memref<48x16x128xf32, #tpu.memory_space<vmem>> -> memref<1x16x128xf32, #tpu.memory_space<vmem>>
        %dma_start3A_97 = tpu.memref_squeeze %dma_start3A_96 : memref<1x16x128xf32, #tpu.memory_space<vmem>> -> memref<16x128xf32, #tpu.memory_space<vmem>>
        %dma_start3A_98 = arith.constant 0 : i32
        %dma_start3A_99 = tpu.memref_slice %arg2[%dma_start3A_98, %multiple_of3A_91] : memref<16x1000000xf32, #tpu.memory_space<hbm>> -> memref<16x128xf32, #tpu.memory_space<hbm>>
        %dma_start3A_100 = arith.constant 0 : i32
        %dma_start3A_101 = arith.constant 0 : i32
        %dma_start3A_102 = tpu.memref_slice %arg13[%add3A_93, %dma_start3A_100, %dma_start3A_101] : memref<48x16x128xf32, #tpu.memory_space<vmem>> -> memref<1x16x128xf32, #tpu.memory_space<vmem>>
        %dma_start3A_103 = tpu.memref_squeeze %dma_start3A_102 : memref<1x16x128xf32, #tpu.memory_space<vmem>> -> memref<16x128xf32, #tpu.memory_space<vmem>>
        %dma_start3A_104 = arith.constant 0 : i32
        %dma_start3A_105 = tpu.memref_slice %arg2[%dma_start3A_104, %multiple_of3A_91] : memref<16x1000000xf32, #tpu.memory_space<hbm>> -> memref<16x128xf32, #tpu.memory_space<hbm>>
        tpu.enqueue_dma source(%dma_start3A_105 : memref<16x128xf32, #tpu.memory_space<hbm>>) target(%dma_start3A_103 : memref<16x128xf32, #tpu.memory_space<vmem>>) target_semaphore(%arg22 : memref<!tpu.dma_semaphore, #tpu.memory_space<semaphore_mem>>)
        %slice3A_106 = vector.extract_strided_slice %shift_right_logical3A_21 {offsets = [4], sizes = [1], strides = [1]} : vector<16xi32> to vector<1xi32>
        %squeeze3A_107 = vector.extract %slice3A_106[0] : i32 from vector<1xi32>
        %mul3A_108 = arith.constant 128 : i32
        %mul3A_109 = arith.muli %squeeze3A_107, %mul3A_108 : i32
        %multiple_of3A_110 = tpu.assume_multiple %mul3A_109, 128 : i32
        %add3A_111 = arith.constant 4 : i32
        %add3A_112 = arith.addi %mul3A_33, %add3A_111 : i32
        %dma_start3A_113 = arith.constant 0 : i32
        %dma_start3A_114 = arith.constant 0 : i32
        %dma_start3A_115 = tpu.memref_slice %arg13[%add3A_112, %dma_start3A_113, %dma_start3A_114] : memref<48x16x128xf32, #tpu.memory_space<vmem>> -> memref<1x16x128xf32, #tpu.memory_space<vmem>>
        %dma_start3A_116 = tpu.memref_squeeze %dma_start3A_115 : memref<1x16x128xf32, #tpu.memory_space<vmem>> -> memref<16x128xf32, #tpu.memory_space<vmem>>
        %dma_start3A_117 = arith.constant 0 : i32
        %dma_start3A_118 = tpu.memref_slice %arg2[%dma_start3A_117, %multiple_of3A_110] : memref<16x1000000xf32, #tpu.memory_space<hbm>> -> memref<16x128xf32, #tpu.memory_space<hbm>>
        %dma_start3A_119 = arith.constant 0 : i32
        %dma_start3A_120 = arith.constant 0 : i32
        %dma_start3A_121 = tpu.memref_slice %arg13[%add3A_112, %dma_start3A_119, %dma_start3A_120] : memref<48x16x128xf32, #tpu.memory_space<vmem>> -> memref<1x16x128xf32, #tpu.memory_space<vmem>>
        %dma_start3A_122 = tpu.memref_squeeze %dma_start3A_121 : memref<1x16x128xf32, #tpu.memory_space<vmem>> -> memref<16x128xf32, #tpu.memory_space<vmem>>
        %dma_start3A_123 = arith.constant 0 : i32
        %dma_start3A_124 = tpu.memref_slice %arg2[%dma_start3A_123, %multiple_of3A_110] : memref<16x1000000xf32, #tpu.memory_space<hbm>> -> memref<16x128xf32, #tpu.memory_space<hbm>>
        tpu.enqueue_dma source(%dma_start3A_124 : memref<16x128xf32, #tpu.memory_space<hbm>>) target(%dma_start3A_122 : memref<16x128xf32, #tpu.memory_space<vmem>>) target_semaphore(%arg22 : memref<!tpu.dma_semaphore, #tpu.memory_space<semaphore_mem>>)
        %slice3A_125 = vector.extract_strided_slice %shift_right_logical3A_21 {offsets = [5], sizes = [1], strides = [1]} : vector<16xi32> to vector<1xi32>
        %squeeze3A_126 = vector.extract %slice3A_125[0] : i32 from vector<1xi32>
        %mul3A_127 = arith.constant 128 : i32
        %mul3A_128 = arith.muli %squeeze3A_126, %mul3A_127 : i32
        %multiple_of3A_129 = tpu.assume_multiple %mul3A_128, 128 : i32
        %add3A_130 = arith.constant 5 : i32
        %add3A_131 = arith.addi %mul3A_33, %add3A_130 : i32
        %dma_start3A_132 = arith.constant 0 : i32
        %dma_start3A_133 = arith.constant 0 : i32
        %dma_start3A_134 = tpu.memref_slice %arg13[%add3A_131, %dma_start3A_132, %dma_start3A_133] : memref<48x16x128xf32, #tpu.memory_space<vmem>> -> memref<1x16x128xf32, #tpu.memory_space<vmem>>
        %dma_start3A_135 = tpu.memref_squeeze %dma_start3A_134 : memref<1x16x128xf32, #tpu.memory_space<vmem>> -> memref<16x128xf32, #tpu.memory_space<vmem>>
        %dma_start3A_136 = arith.constant 0 : i32
        %dma_start3A_137 = tpu.memref_slice %arg2[%dma_start3A_136, %multiple_of3A_129] : memref<16x1000000xf32, #tpu.memory_space<hbm>> -> memref<16x128xf32, #tpu.memory_space<hbm>>
        %dma_start3A_138 = arith.constant 0 : i32
        %dma_start3A_139 = arith.constant 0 : i32
        %dma_start3A_140 = tpu.memref_slice %arg13[%add3A_131, %dma_start3A_138, %dma_start3A_139] : memref<48x16x128xf32, #tpu.memory_space<vmem>> -> memref<1x16x128xf32, #tpu.memory_space<vmem>>
        %dma_start3A_141 = tpu.memref_squeeze %dma_start3A_140 : memref<1x16x128xf32, #tpu.memory_space<vmem>> -> memref<16x128xf32, #tpu.memory_space<vmem>>
        %dma_start3A_142 = arith.constant 0 : i32
        %dma_start3A_143 = tpu.memref_slice %arg2[%dma_start3A_142, %multiple_of3A_129] : memref<16x1000000xf32, #tpu.memory_space<hbm>> -> memref<16x128xf32, #tpu.memory_space<hbm>>
        tpu.enqueue_dma source(%dma_start3A_143 : memref<16x128xf32, #tpu.memory_space<hbm>>) target(%dma_start3A_141 : memref<16x128xf32, #tpu.memory_space<vmem>>) target_semaphore(%arg22 : memref<!tpu.dma_semaphore, #tpu.memory_space<semaphore_mem>>)
        %slice3A_144 = vector.extract_strided_slice %shift_right_logical3A_21 {offsets = [6], sizes = [1], strides = [1]} : vector<16xi32> to vector<1xi32>
        %squeeze3A_145 = vector.extract %slice3A_144[0] : i32 from vector<1xi32>
        %mul3A_146 = arith.constant 128 : i32
        %mul3A_147 = arith.muli %squeeze3A_145, %mul3A_146 : i32
        %multiple_of3A_148 = tpu.assume_multiple %mul3A_147, 128 : i32
        %add3A_149 = arith.constant 6 : i32
        %add3A_150 = arith.addi %mul3A_33, %add3A_149 : i32
        %dma_start3A_151 = arith.constant 0 : i32
        %dma_start3A_152 = arith.constant 0 : i32
        %dma_start3A_153 = tpu.memref_slice %arg13[%add3A_150, %dma_start3A_151, %dma_start3A_152] : memref<48x16x128xf32, #tpu.memory_space<vmem>> -> memref<1x16x128xf32, #tpu.memory_space<vmem>>
        %dma_start3A_154 = tpu.memref_squeeze %dma_start3A_153 : memref<1x16x128xf32, #tpu.memory_space<vmem>> -> memref<16x128xf32, #tpu.memory_space<vmem>>
        %dma_start3A_155 = arith.constant 0 : i32
        %dma_start3A_156 = tpu.memref_slice %arg2[%dma_start3A_155, %multiple_of3A_148] : memref<16x1000000xf32, #tpu.memory_space<hbm>> -> memref<16x128xf32, #tpu.memory_space<hbm>>
        %dma_start3A_157 = arith.constant 0 : i32
        %dma_start3A_158 = arith.constant 0 : i32
        %dma_start3A_159 = tpu.memref_slice %arg13[%add3A_150, %dma_start3A_157, %dma_start3A_158] : memref<48x16x128xf32, #tpu.memory_space<vmem>> -> memref<1x16x128xf32, #tpu.memory_space<vmem>>
        %dma_start3A_160 = tpu.memref_squeeze %dma_start3A_159 : memref<1x16x128xf32, #tpu.memory_space<vmem>> -> memref<16x128xf32, #tpu.memory_space<vmem>>
        %dma_start3A_161 = arith.constant 0 : i32
        %dma_start3A_162 = tpu.memref_slice %arg2[%dma_start3A_161, %multiple_of3A_148] : memref<16x1000000xf32, #tpu.memory_space<hbm>> -> memref<16x128xf32, #tpu.memory_space<hbm>>
        tpu.enqueue_dma source(%dma_start3A_162 : memref<16x128xf32, #tpu.memory_space<hbm>>) target(%dma_start3A_160 : memref<16x128xf32, #tpu.memory_space<vmem>>) target_semaphore(%arg22 : memref<!tpu.dma_semaphore, #tpu.memory_space<semaphore_mem>>)
        %slice3A_163 = vector.extract_strided_slice %shift_right_logical3A_21 {offsets = [7], sizes = [1], strides = [1]} : vector<16xi32> to vector<1xi32>
        %squeeze3A_164 = vector.extract %slice3A_163[0] : i32 from vector<1xi32>
        %mul3A_165 = arith.constant 128 : i32
        %mul3A_166 = arith.muli %squeeze3A_164, %mul3A_165 : i32
        %multiple_of3A_167 = tpu.assume_multiple %mul3A_166, 128 : i32
        %add3A_168 = arith.constant 7 : i32
        %add3A_169 = arith.addi %mul3A_33, %add3A_168 : i32
        %dma_start3A_170 = arith.constant 0 : i32
        %dma_start3A_171 = arith.constant 0 : i32
        %dma_start3A_172 = tpu.memref_slice %arg13[%add3A_169, %dma_start3A_170, %dma_start3A_171] : memref<48x16x128xf32, #tpu.memory_space<vmem>> -> memref<1x16x128xf32, #tpu.memory_space<vmem>>
        %dma_start3A_173 = tpu.memref_squeeze %dma_start3A_172 : memref<1x16x128xf32, #tpu.memory_space<vmem>> -> memref<16x128xf32, #tpu.memory_space<vmem>>
        %dma_start3A_174 = arith.constant 0 : i32
        %dma_start3A_175 = tpu.memref_slice %arg2[%dma_start3A_174, %multiple_of3A_167] : memref<16x1000000xf32, #tpu.memory_space<hbm>> -> memref<16x128xf32, #tpu.memory_space<hbm>>
        %dma_start3A_176 = arith.constant 0 : i32
        %dma_start3A_177 = arith.constant 0 : i32
        %dma_start3A_178 = tpu.memref_slice %arg13[%add3A_169, %dma_start3A_176, %dma_start3A_177] : memref<48x16x128xf32, #tpu.memory_space<vmem>> -> memref<1x16x128xf32, #tpu.memory_space<vmem>>
        %dma_start3A_179 = tpu.memref_squeeze %dma_start3A_178 : memref<1x16x128xf32, #tpu.memory_space<vmem>> -> memref<16x128xf32, #tpu.memory_space<vmem>>
        %dma_start3A_180 = arith.constant 0 : i32
        %dma_start3A_181 = tpu.memref_slice %arg2[%dma_start3A_180, %multiple_of3A_167] : memref<16x1000000xf32, #tpu.memory_space<hbm>> -> memref<16x128xf32, #tpu.memory_space<hbm>>
        tpu.enqueue_dma source(%dma_start3A_181 : memref<16x128xf32, #tpu.memory_space<hbm>>) target(%dma_start3A_179 : memref<16x128xf32, #tpu.memory_space<vmem>>) target_semaphore(%arg22 : memref<!tpu.dma_semaphore, #tpu.memory_space<semaphore_mem>>)
        %slice3A_182 = vector.extract_strided_slice %shift_right_logical3A_21 {offsets = [8], sizes = [1], strides = [1]} : vector<16xi32> to vector<1xi32>
        %squeeze3A_183 = vector.extract %slice3A_182[0] : i32 from vector<1xi32>
        %mul3A_184 = arith.constant 128 : i32
        %mul3A_185 = arith.muli %squeeze3A_183, %mul3A_184 : i32
        %multiple_of3A_186 = tpu.assume_multiple %mul3A_185, 128 : i32
        %add3A_187 = arith.constant 8 : i32
        %add3A_188 = arith.addi %mul3A_33, %add3A_187 : i32
        %dma_start3A_189 = arith.constant 0 : i32
        %dma_start3A_190 = arith.constant 0 : i32
        %dma_start3A_191 = tpu.memref_slice %arg13[%add3A_188, %dma_start3A_189, %dma_start3A_190] : memref<48x16x128xf32, #tpu.memory_space<vmem>> -> memref<1x16x128xf32, #tpu.memory_space<vmem>>
        %dma_start3A_192 = tpu.memref_squeeze %dma_start3A_191 : memref<1x16x128xf32, #tpu.memory_space<vmem>> -> memref<16x128xf32, #tpu.memory_space<vmem>>
        %dma_start3A_193 = arith.constant 0 : i32
        %dma_start3A_194 = tpu.memref_slice %arg2[%dma_start3A_193, %multiple_of3A_186] : memref<16x1000000xf32, #tpu.memory_space<hbm>> -> memref<16x128xf32, #tpu.memory_space<hbm>>
        %dma_start3A_195 = arith.constant 0 : i32
        %dma_start3A_196 = arith.constant 0 : i32
        %dma_start3A_197 = tpu.memref_slice %arg13[%add3A_188, %dma_start3A_195, %dma_start3A_196] : memref<48x16x128xf32, #tpu.memory_space<vmem>> -> memref<1x16x128xf32, #tpu.memory_space<vmem>>
        %dma_start3A_198 = tpu.memref_squeeze %dma_start3A_197 : memref<1x16x128xf32, #tpu.memory_space<vmem>> -> memref<16x128xf32, #tpu.memory_space<vmem>>
        %dma_start3A_199 = arith.constant 0 : i32
        %dma_start3A_200 = tpu.memref_slice %arg2[%dma_start3A_199, %multiple_of3A_186] : memref<16x1000000xf32, #tpu.memory_space<hbm>> -> memref<16x128xf32, #tpu.memory_space<hbm>>
        tpu.enqueue_dma source(%dma_start3A_200 : memref<16x128xf32, #tpu.memory_space<hbm>>) target(%dma_start3A_198 : memref<16x128xf32, #tpu.memory_space<vmem>>) target_semaphore(%arg22 : memref<!tpu.dma_semaphore, #tpu.memory_space<semaphore_mem>>)
        %slice3A_201 = vector.extract_strided_slice %shift_right_logical3A_21 {offsets = [9], sizes = [1], strides = [1]} : vector<16xi32> to vector<1xi32>
        %squeeze3A_202 = vector.extract %slice3A_201[0] : i32 from vector<1xi32>
        %mul3A_203 = arith.constant 128 : i32
        %mul3A_204 = arith.muli %squeeze3A_202, %mul3A_203 : i32
        %multiple_of3A_205 = tpu.assume_multiple %mul3A_204, 128 : i32
        %add3A_206 = arith.constant 9 : i32
        %add3A_207 = arith.addi %mul3A_33, %add3A_206 : i32
        %dma_start3A_208 = arith.constant 0 : i32
        %dma_start3A_209 = arith.constant 0 : i32
        %dma_start3A_210 = tpu.memref_slice %arg13[%add3A_207, %dma_start3A_208, %dma_start3A_209] : memref<48x16x128xf32, #tpu.memory_space<vmem>> -> memref<1x16x128xf32, #tpu.memory_space<vmem>>
        %dma_start3A_211 = tpu.memref_squeeze %dma_start3A_210 : memref<1x16x128xf32, #tpu.memory_space<vmem>> -> memref<16x128xf32, #tpu.memory_space<vmem>>
        %dma_start3A_212 = arith.constant 0 : i32
        %dma_start3A_213 = tpu.memref_slice %arg2[%dma_start3A_212, %multiple_of3A_205] : memref<16x1000000xf32, #tpu.memory_space<hbm>> -> memref<16x128xf32, #tpu.memory_space<hbm>>
        %dma_start3A_214 = arith.constant 0 : i32
        %dma_start3A_215 = arith.constant 0 : i32
        %dma_start3A_216 = tpu.memref_slice %arg13[%add3A_207, %dma_start3A_214, %dma_start3A_215] : memref<48x16x128xf32, #tpu.memory_space<vmem>> -> memref<1x16x128xf32, #tpu.memory_space<vmem>>
        %dma_start3A_217 = tpu.memref_squeeze %dma_start3A_216 : memref<1x16x128xf32, #tpu.memory_space<vmem>> -> memref<16x128xf32, #tpu.memory_space<vmem>>
        %dma_start3A_218 = arith.constant 0 : i32
        %dma_start3A_219 = tpu.memref_slice %arg2[%dma_start3A_218, %multiple_of3A_205] : memref<16x1000000xf32, #tpu.memory_space<hbm>> -> memref<16x128xf32, #tpu.memory_space<hbm>>
        tpu.enqueue_dma source(%dma_start3A_219 : memref<16x128xf32, #tpu.memory_space<hbm>>) target(%dma_start3A_217 : memref<16x128xf32, #tpu.memory_space<vmem>>) target_semaphore(%arg22 : memref<!tpu.dma_semaphore, #tpu.memory_space<semaphore_mem>>)
        %slice3A_220 = vector.extract_strided_slice %shift_right_logical3A_21 {offsets = [10], sizes = [1], strides = [1]} : vector<16xi32> to vector<1xi32>
        %squeeze3A_221 = vector.extract %slice3A_220[0] : i32 from vector<1xi32>
        %mul3A_222 = arith.constant 128 : i32
        %mul3A_223 = arith.muli %squeeze3A_221, %mul3A_222 : i32
        %multiple_of3A_224 = tpu.assume_multiple %mul3A_223, 128 : i32
        %add3A_225 = arith.constant 10 : i32
        %add3A_226 = arith.addi %mul3A_33, %add3A_225 : i32
        %dma_start3A_227 = arith.constant 0 : i32
        %dma_start3A_228 = arith.constant 0 : i32
        %dma_start3A_229 = tpu.memref_slice %arg13[%add3A_226, %dma_start3A_227, %dma_start3A_228] : memref<48x16x128xf32, #tpu.memory_space<vmem>> -> memref<1x16x128xf32, #tpu.memory_space<vmem>>
        %dma_start3A_230 = tpu.memref_squeeze %dma_start3A_229 : memref<1x16x128xf32, #tpu.memory_space<vmem>> -> memref<16x128xf32, #tpu.memory_space<vmem>>
        %dma_start3A_231 = arith.constant 0 : i32
        %dma_start3A_232 = tpu.memref_slice %arg2[%dma_start3A_231, %multiple_of3A_224] : memref<16x1000000xf32, #tpu.memory_space<hbm>> -> memref<16x128xf32, #tpu.memory_space<hbm>>
        %dma_start3A_233 = arith.constant 0 : i32
        %dma_start3A_234 = arith.constant 0 : i32
        %dma_start3A_235 = tpu.memref_slice %arg13[%add3A_226, %dma_start3A_233, %dma_start3A_234] : memref<48x16x128xf32, #tpu.memory_space<vmem>> -> memref<1x16x128xf32, #tpu.memory_space<vmem>>
        %dma_start3A_236 = tpu.memref_squeeze %dma_start3A_235 : memref<1x16x128xf32, #tpu.memory_space<vmem>> -> memref<16x128xf32, #tpu.memory_space<vmem>>
        %dma_start3A_237 = arith.constant 0 : i32
        %dma_start3A_238 = tpu.memref_slice %arg2[%dma_start3A_237, %multiple_of3A_224] : memref<16x1000000xf32, #tpu.memory_space<hbm>> -> memref<16x128xf32, #tpu.memory_space<hbm>>
        tpu.enqueue_dma source(%dma_start3A_238 : memref<16x128xf32, #tpu.memory_space<hbm>>) target(%dma_start3A_236 : memref<16x128xf32, #tpu.memory_space<vmem>>) target_semaphore(%arg22 : memref<!tpu.dma_semaphore, #tpu.memory_space<semaphore_mem>>)
        %slice3A_239 = vector.extract_strided_slice %shift_right_logical3A_21 {offsets = [11], sizes = [1], strides = [1]} : vector<16xi32> to vector<1xi32>
        %squeeze3A_240 = vector.extract %slice3A_239[0] : i32 from vector<1xi32>
        %mul3A_241 = arith.constant 128 : i32
        %mul3A_242 = arith.muli %squeeze3A_240, %mul3A_241 : i32
        %multiple_of3A_243 = tpu.assume_multiple %mul3A_242, 128 : i32
        %add3A_244 = arith.constant 11 : i32
        %add3A_245 = arith.addi %mul3A_33, %add3A_244 : i32
        %dma_start3A_246 = arith.constant 0 : i32
        %dma_start3A_247 = arith.constant 0 : i32
        %dma_start3A_248 = tpu.memref_slice %arg13[%add3A_245, %dma_start3A_246, %dma_start3A_247] : memref<48x16x128xf32, #tpu.memory_space<vmem>> -> memref<1x16x128xf32, #tpu.memory_space<vmem>>
        %dma_start3A_249 = tpu.memref_squeeze %dma_start3A_248 : memref<1x16x128xf32, #tpu.memory_space<vmem>> -> memref<16x128xf32, #tpu.memory_space<vmem>>
        %dma_start3A_250 = arith.constant 0 : i32
        %dma_start3A_251 = tpu.memref_slice %arg2[%dma_start3A_250, %multiple_of3A_243] : memref<16x1000000xf32, #tpu.memory_space<hbm>> -> memref<16x128xf32, #tpu.memory_space<hbm>>
        %dma_start3A_252 = arith.constant 0 : i32
        %dma_start3A_253 = arith.constant 0 : i32
        %dma_start3A_254 = tpu.memref_slice %arg13[%add3A_245, %dma_start3A_252, %dma_start3A_253] : memref<48x16x128xf32, #tpu.memory_space<vmem>> -> memref<1x16x128xf32, #tpu.memory_space<vmem>>
        %dma_start3A_255 = tpu.memref_squeeze %dma_start3A_254 : memref<1x16x128xf32, #tpu.memory_space<vmem>> -> memref<16x128xf32, #tpu.memory_space<vmem>>
        %dma_start3A_256 = arith.constant 0 : i32
        %dma_start3A_257 = tpu.memref_slice %arg2[%dma_start3A_256, %multiple_of3A_243] : memref<16x1000000xf32, #tpu.memory_space<hbm>> -> memref<16x128xf32, #tpu.memory_space<hbm>>
        tpu.enqueue_dma source(%dma_start3A_257 : memref<16x128xf32, #tpu.memory_space<hbm>>) target(%dma_start3A_255 : memref<16x128xf32, #tpu.memory_space<vmem>>) target_semaphore(%arg22 : memref<!tpu.dma_semaphore, #tpu.memory_space<semaphore_mem>>)
        %slice3A_258 = vector.extract_strided_slice %shift_right_logical3A_21 {offsets = [12], sizes = [1], strides = [1]} : vector<16xi32> to vector<1xi32>
        %squeeze3A_259 = vector.extract %slice3A_258[0] : i32 from vector<1xi32>
        %mul3A_260 = arith.constant 128 : i32
        %mul3A_261 = arith.muli %squeeze3A_259, %mul3A_260 : i32
        %multiple_of3A_262 = tpu.assume_multiple %mul3A_261, 128 : i32
        %add3A_263 = arith.constant 12 : i32
        %add3A_264 = arith.addi %mul3A_33, %add3A_263 : i32
        %dma_start3A_265 = arith.constant 0 : i32
        %dma_start3A_266 = arith.constant 0 : i32
        %dma_start3A_267 = tpu.memref_slice %arg13[%add3A_264, %dma_start3A_265, %dma_start3A_266] : memref<48x16x128xf32, #tpu.memory_space<vmem>> -> memref<1x16x128xf32, #tpu.memory_space<vmem>>
        %dma_start3A_268 = tpu.memref_squeeze %dma_start3A_267 : memref<1x16x128xf32, #tpu.memory_space<vmem>> -> memref<16x128xf32, #tpu.memory_space<vmem>>
        %dma_start3A_269 = arith.constant 0 : i32
        %dma_start3A_270 = tpu.memref_slice %arg2[%dma_start3A_269, %multiple_of3A_262] : memref<16x1000000xf32, #tpu.memory_space<hbm>> -> memref<16x128xf32, #tpu.memory_space<hbm>>
        %dma_start3A_271 = arith.constant 0 : i32
        %dma_start3A_272 = arith.constant 0 : i32
        %dma_start3A_273 = tpu.memref_slice %arg13[%add3A_264, %dma_start3A_271, %dma_start3A_272] : memref<48x16x128xf32, #tpu.memory_space<vmem>> -> memref<1x16x128xf32, #tpu.memory_space<vmem>>
        %dma_start3A_274 = tpu.memref_squeeze %dma_start3A_273 : memref<1x16x128xf32, #tpu.memory_space<vmem>> -> memref<16x128xf32, #tpu.memory_space<vmem>>
        %dma_start3A_275 = arith.constant 0 : i32
        %dma_start3A_276 = tpu.memref_slice %arg2[%dma_start3A_275, %multiple_of3A_262] : memref<16x1000000xf32, #tpu.memory_space<hbm>> -> memref<16x128xf32, #tpu.memory_space<hbm>>
        tpu.enqueue_dma source(%dma_start3A_276 : memref<16x128xf32, #tpu.memory_space<hbm>>) target(%dma_start3A_274 : memref<16x128xf32, #tpu.memory_space<vmem>>) target_semaphore(%arg22 : memref<!tpu.dma_semaphore, #tpu.memory_space<semaphore_mem>>)
        %slice3A_277 = vector.extract_strided_slice %shift_right_logical3A_21 {offsets = [13], sizes = [1], strides = [1]} : vector<16xi32> to vector<1xi32>
        %squeeze3A_278 = vector.extract %slice3A_277[0] : i32 from vector<1xi32>
        %mul3A_279 = arith.constant 128 : i32
        %mul3A_280 = arith.muli %squeeze3A_278, %mul3A_279 : i32
        %multiple_of3A_281 = tpu.assume_multiple %mul3A_280, 128 : i32
        %add3A_282 = arith.constant 13 : i32
        %add3A_283 = arith.addi %mul3A_33, %add3A_282 : i32
        %dma_start3A_284 = arith.constant 0 : i32
        %dma_start3A_285 = arith.constant 0 : i32
        %dma_start3A_286 = tpu.memref_slice %arg13[%add3A_283, %dma_start3A_284, %dma_start3A_285] : memref<48x16x128xf32, #tpu.memory_space<vmem>> -> memref<1x16x128xf32, #tpu.memory_space<vmem>>
        %dma_start3A_287 = tpu.memref_squeeze %dma_start3A_286 : memref<1x16x128xf32, #tpu.memory_space<vmem>> -> memref<16x128xf32, #tpu.memory_space<vmem>>
        %dma_start3A_288 = arith.constant 0 : i32
        %dma_start3A_289 = tpu.memref_slice %arg2[%dma_start3A_288, %multiple_of3A_281] : memref<16x1000000xf32, #tpu.memory_space<hbm>> -> memref<16x128xf32, #tpu.memory_space<hbm>>
        %dma_start3A_290 = arith.constant 0 : i32
        %dma_start3A_291 = arith.constant 0 : i32
        %dma_start3A_292 = tpu.memref_slice %arg13[%add3A_283, %dma_start3A_290, %dma_start3A_291] : memref<48x16x128xf32, #tpu.memory_space<vmem>> -> memref<1x16x128xf32, #tpu.memory_space<vmem>>
        %dma_start3A_293 = tpu.memref_squeeze %dma_start3A_292 : memref<1x16x128xf32, #tpu.memory_space<vmem>> -> memref<16x128xf32, #tpu.memory_space<vmem>>
        %dma_start3A_294 = arith.constant 0 : i32
        %dma_start3A_295 = tpu.memref_slice %arg2[%dma_start3A_294, %multiple_of3A_281] : memref<16x1000000xf32, #tpu.memory_space<hbm>> -> memref<16x128xf32, #tpu.memory_space<hbm>>
        tpu.enqueue_dma source(%dma_start3A_295 : memref<16x128xf32, #tpu.memory_space<hbm>>) target(%dma_start3A_293 : memref<16x128xf32, #tpu.memory_space<vmem>>) target_semaphore(%arg22 : memref<!tpu.dma_semaphore, #tpu.memory_space<semaphore_mem>>)
        %slice3A_296 = vector.extract_strided_slice %shift_right_logical3A_21 {offsets = [14], sizes = [1], strides = [1]} : vector<16xi32> to vector<1xi32>
        %squeeze3A_297 = vector.extract %slice3A_296[0] : i32 from vector<1xi32>
        %mul3A_298 = arith.constant 128 : i32
        %mul3A_299 = arith.muli %squeeze3A_297, %mul3A_298 : i32
        %multiple_of3A_300 = tpu.assume_multiple %mul3A_299, 128 : i32
        %add3A_301 = arith.constant 14 : i32
        %add3A_302 = arith.addi %mul3A_33, %add3A_301 : i32
        %dma_start3A_303 = arith.constant 0 : i32
        %dma_start3A_304 = arith.constant 0 : i32
        %dma_start3A_305 = tpu.memref_slice %arg13[%add3A_302, %dma_start3A_303, %dma_start3A_304] : memref<48x16x128xf32, #tpu.memory_space<vmem>> -> memref<1x16x128xf32, #tpu.memory_space<vmem>>
        %dma_start3A_306 = tpu.memref_squeeze %dma_start3A_305 : memref<1x16x128xf32, #tpu.memory_space<vmem>> -> memref<16x128xf32, #tpu.memory_space<vmem>>
        %dma_start3A_307 = arith.constant 0 : i32
        %dma_start3A_308 = tpu.memref_slice %arg2[%dma_start3A_307, %multiple_of3A_300] : memref<16x1000000xf32, #tpu.memory_space<hbm>> -> memref<16x128xf32, #tpu.memory_space<hbm>>
        %dma_start3A_309 = arith.constant 0 : i32
        %dma_start3A_310 = arith.constant 0 : i32
        %dma_start3A_311 = tpu.memref_slice %arg13[%add3A_302, %dma_start3A_309, %dma_start3A_310] : memref<48x16x128xf32, #tpu.memory_space<vmem>> -> memref<1x16x128xf32, #tpu.memory_space<vmem>>
        %dma_start3A_312 = tpu.memref_squeeze %dma_start3A_311 : memref<1x16x128xf32, #tpu.memory_space<vmem>> -> memref<16x128xf32, #tpu.memory_space<vmem>>
        %dma_start3A_313 = arith.constant 0 : i32
        %dma_start3A_314 = tpu.memref_slice %arg2[%dma_start3A_313, %multiple_of3A_300] : memref<16x1000000xf32, #tpu.memory_space<hbm>> -> memref<16x128xf32, #tpu.memory_space<hbm>>
        tpu.enqueue_dma source(%dma_start3A_314 : memref<16x128xf32, #tpu.memory_space<hbm>>) target(%dma_start3A_312 : memref<16x128xf32, #tpu.memory_space<vmem>>) target_semaphore(%arg22 : memref<!tpu.dma_semaphore, #tpu.memory_space<semaphore_mem>>)
        %slice3A_315 = vector.extract_strided_slice %shift_right_logical3A_21 {offsets = [15], sizes = [1], strides = [1]} : vector<16xi32> to vector<1xi32>
        %squeeze3A_316 = vector.extract %slice3A_315[0] : i32 from vector<1xi32>
        %mul3A_317 = arith.constant 128 : i32
        %mul3A_318 = arith.muli %squeeze3A_316, %mul3A_317 : i32
        %multiple_of3A_319 = tpu.assume_multiple %mul3A_318, 128 : i32
        %add3A_320 = arith.constant 15 : i32
        %add3A_321 = arith.addi %mul3A_33, %add3A_320 : i32
        %dma_start3A_322 = arith.constant 0 : i32
        %dma_start3A_323 = arith.constant 0 : i32
        %dma_start3A_324 = tpu.memref_slice %arg13[%add3A_321, %dma_start3A_322, %dma_start3A_323] : memref<48x16x128xf32, #tpu.memory_space<vmem>> -> memref<1x16x128xf32, #tpu.memory_space<vmem>>
        %dma_start3A_325 = tpu.memref_squeeze %dma_start3A_324 : memref<1x16x128xf32, #tpu.memory_space<vmem>> -> memref<16x128xf32, #tpu.memory_space<vmem>>
        %dma_start3A_326 = arith.constant 0 : i32
        %dma_start3A_327 = tpu.memref_slice %arg2[%dma_start3A_326, %multiple_of3A_319] : memref<16x1000000xf32, #tpu.memory_space<hbm>> -> memref<16x128xf32, #tpu.memory_space<hbm>>
        %dma_start3A_328 = arith.constant 0 : i32
        %dma_start3A_329 = arith.constant 0 : i32
        %dma_start3A_330 = tpu.memref_slice %arg13[%add3A_321, %dma_start3A_328, %dma_start3A_329] : memref<48x16x128xf32, #tpu.memory_space<vmem>> -> memref<1x16x128xf32, #tpu.memory_space<vmem>>
        %dma_start3A_331 = tpu.memref_squeeze %dma_start3A_330 : memref<1x16x128xf32, #tpu.memory_space<vmem>> -> memref<16x128xf32, #tpu.memory_space<vmem>>
        %dma_start3A_332 = arith.constant 0 : i32
        %dma_start3A_333 = tpu.memref_slice %arg2[%dma_start3A_332, %multiple_of3A_319] : memref<16x1000000xf32, #tpu.memory_space<hbm>> -> memref<16x128xf32, #tpu.memory_space<hbm>>
        tpu.enqueue_dma source(%dma_start3A_333 : memref<16x128xf32, #tpu.memory_space<hbm>>) target(%dma_start3A_331 : memref<16x128xf32, #tpu.memory_space<vmem>>) target_semaphore(%arg22 : memref<!tpu.dma_semaphore, #tpu.memory_space<semaphore_mem>>)
        %mul3A_334 = arith.constant 16 : i32
        %mul3A_335 = arith.muli %scan3A_10, %mul3A_334 : i32
        %add3A_336 = vector.broadcast %mul3A_335 : i32 to vector<16xi32>
        %add3A_337 = arith.addi %add3A_336, %iota3A : vector<16xi32>
        %mul3A_338 = arith.constant 32 : i32
        %mul3A_339 = vector.broadcast %mul3A_338 : i32 to vector<16xi32>
        %mul3A_340 = arith.muli %add3A_337, %mul3A_339 : vector<16xi32>
        %mul3A_341 = arith.constant 16 : i32
        %mul3A_342 = arith.muli %scan3A_10, %mul3A_341 : i32
        %get3A_343 = arith.index_cast %mul3A_342 : i32 to index
        %get3A_344 = tpu.vector_load %arg14[%get3A_343] {strides = array<i32>} : memref<512xi32, #tpu.memory_space<vmem>>, vector<16xi32>,
        %mul3A_345 = arith.constant 8 : i32
        %mul3A_346 = vector.broadcast %mul3A_345 : i32 to vector<16xi32>
        %mul3A_347 = arith.muli %get3A_344, %mul3A_346 : vector<16xi32>
        %add3A_348 = arith.constant 0 : i32
        %add3A_349 = vector.broadcast %add3A_348 : i32 to vector<16xi32>
        %add3A_350 = arith.addi %mul3A_347, %add3A_349 : vector<16xi32>
        %gather3A = tpu.vector_load_idx %arg19[%add3A_350] : memref<8000xf32, #tpu.memory_space<vmem>>[vector<16xi32>], vector<16xf32>,
        %add3A_351 = arith.constant 16 : i32
        %add3A_352 = vector.broadcast %add3A_351 : i32 to vector<16xi32>
        %add3A_353 = arith.addi %mul3A_340, %add3A_352 : vector<16xi32>
        tpu.vector_store_idx %arg21[%add3A_353], %gather3A : memref<16384xf32, #tpu.memory_space<vmem>>[vector<16xi32>], vector<16xf32>,
        %add3A_354 = arith.constant 1 : i32
        %add3A_355 = vector.broadcast %add3A_354 : i32 to vector<16xi32>
        %add3A_356 = arith.addi %mul3A_347, %add3A_355 : vector<16xi32>
        %gather3A_357 = tpu.vector_load_idx %arg19[%add3A_356] : memref<8000xf32, #tpu.memory_space<vmem>>[vector<16xi32>], vector<16xf32>,
        %add3A_358 = arith.constant 17 : i32
        %add3A_359 = vector.broadcast %add3A_358 : i32 to vector<16xi32>
        %add3A_360 = arith.addi %mul3A_340, %add3A_359 : vector<16xi32>
        tpu.vector_store_idx %arg21[%add3A_360], %gather3A_357 : memref<16384xf32, #tpu.memory_space<vmem>>[vector<16xi32>], vector<16xf32>,
        %add3A_361 = arith.constant 2 : i32
        %add3A_362 = vector.broadcast %add3A_361 : i32 to vector<16xi32>
        %add3A_363 = arith.addi %mul3A_347, %add3A_362 : vector<16xi32>
        %gather3A_364 = tpu.vector_load_idx %arg19[%add3A_363] : memref<8000xf32, #tpu.memory_space<vmem>>[vector<16xi32>], vector<16xf32>,
        %add3A_365 = arith.constant 18 : i32
        %add3A_366 = vector.broadcast %add3A_365 : i32 to vector<16xi32>
        %add3A_367 = arith.addi %mul3A_340, %add3A_366 : vector<16xi32>
        tpu.vector_store_idx %arg21[%add3A_367], %gather3A_364 : memref<16384xf32, #tpu.memory_space<vmem>>[vector<16xi32>], vector<16xf32>,
        %add3A_368 = arith.constant 3 : i32
        %add3A_369 = vector.broadcast %add3A_368 : i32 to vector<16xi32>
        %add3A_370 = arith.addi %mul3A_347, %add3A_369 : vector<16xi32>
        %gather3A_371 = tpu.vector_load_idx %arg19[%add3A_370] : memref<8000xf32, #tpu.memory_space<vmem>>[vector<16xi32>], vector<16xf32>,
        %add3A_372 = arith.constant 19 : i32
        %add3A_373 = vector.broadcast %add3A_372 : i32 to vector<16xi32>
        %add3A_374 = arith.addi %mul3A_340, %add3A_373 : vector<16xi32>
        tpu.vector_store_idx %arg21[%add3A_374], %gather3A_371 : memref<16384xf32, #tpu.memory_space<vmem>>[vector<16xi32>], vector<16xf32>,
        %add3A_375 = arith.constant 4 : i32
        %add3A_376 = vector.broadcast %add3A_375 : i32 to vector<16xi32>
        %add3A_377 = arith.addi %mul3A_347, %add3A_376 : vector<16xi32>
        %gather3A_378 = tpu.vector_load_idx %arg19[%add3A_377] : memref<8000xf32, #tpu.memory_space<vmem>>[vector<16xi32>], vector<16xf32>,
        %add3A_379 = arith.constant 20 : i32
        %add3A_380 = vector.broadcast %add3A_379 : i32 to vector<16xi32>
        %add3A_381 = arith.addi %mul3A_340, %add3A_380 : vector<16xi32>
        tpu.vector_store_idx %arg21[%add3A_381], %gather3A_378 : memref<16384xf32, #tpu.memory_space<vmem>>[vector<16xi32>], vector<16xf32>,
        %add3A_382 = arith.constant 5 : i32
        %add3A_383 = vector.broadcast %add3A_382 : i32 to vector<16xi32>
        %add3A_384 = arith.addi %mul3A_347, %add3A_383 : vector<16xi32>
        %gather3A_385 = tpu.vector_load_idx %arg19[%add3A_384] : memref<8000xf32, #tpu.memory_space<vmem>>[vector<16xi32>], vector<16xf32>,
        %add3A_386 = arith.constant 21 : i32
        %add3A_387 = vector.broadcast %add3A_386 : i32 to vector<16xi32>
        %add3A_388 = arith.addi %mul3A_340, %add3A_387 : vector<16xi32>
        tpu.vector_store_idx %arg21[%add3A_388], %gather3A_385 : memref<16384xf32, #tpu.memory_space<vmem>>[vector<16xi32>], vector<16xf32>,
        %add3A_389 = arith.constant 6 : i32
        %add3A_390 = vector.broadcast %add3A_389 : i32 to vector<16xi32>
        %add3A_391 = arith.addi %mul3A_347, %add3A_390 : vector<16xi32>
        %gather3A_392 = tpu.vector_load_idx %arg19[%add3A_391] : memref<8000xf32, #tpu.memory_space<vmem>>[vector<16xi32>], vector<16xf32>,
        %add3A_393 = arith.constant 22 : i32
        %add3A_394 = vector.broadcast %add3A_393 : i32 to vector<16xi32>
        %add3A_395 = arith.addi %mul3A_340, %add3A_394 : vector<16xi32>
        tpu.vector_store_idx %arg21[%add3A_395], %gather3A_392 : memref<16384xf32, #tpu.memory_space<vmem>>[vector<16xi32>], vector<16xf32>,
        %add3A_396 = arith.constant 7 : i32
        %add3A_397 = vector.broadcast %add3A_396 : i32 to vector<16xi32>
        %add3A_398 = arith.addi %mul3A_347, %add3A_397 : vector<16xi32>
        %gather3A_399 = tpu.vector_load_idx %arg19[%add3A_398] : memref<8000xf32, #tpu.memory_space<vmem>>[vector<16xi32>], vector<16xf32>,
        %add3A_400 = arith.constant 23 : i32
        %add3A_401 = vector.broadcast %add3A_400 : i32 to vector<16xi32>
        %add3A_402 = arith.addi %mul3A_340, %add3A_401 : vector<16xi32>
        tpu.vector_store_idx %arg21[%add3A_402], %gather3A_399 : memref<16384xf32, #tpu.memory_space<vmem>>[vector<16xi32>], vector<16xf32>,
        %mul3A_403 = arith.constant 16 : i32
        %mul3A_404 = arith.muli %scan3A_10, %mul3A_403 : i32
        %get3A_405 = arith.index_cast %mul3A_404 : i32 to index
        %get3A_406 = tpu.vector_load %arg15[%get3A_405] {strides = array<i32>} : memref<512xi32, #tpu.memory_space<vmem>>, vector<16xi32>,
        %mul3A_407 = arith.constant 4 : i32
        %mul3A_408 = vector.broadcast %mul3A_407 : i32 to vector<16xi32>
        %mul3A_409 = arith.muli %get3A_406, %mul3A_408 : vector<16xi32>
        %add3A_410 = arith.constant 0 : i32
        %add3A_411 = vector.broadcast %add3A_410 : i32 to vector<16xi32>
        %add3A_412 = arith.addi %mul3A_409, %add3A_411 : vector<16xi32>
        %gather3A_413 = tpu.vector_load_idx %arg20[%add3A_412] : memref<32xf32, #tpu.memory_space<vmem>>[vector<16xi32>], vector<16xf32>,
        %add3A_414 = arith.constant 24 : i32
        %add3A_415 = vector.broadcast %add3A_414 : i32 to vector<16xi32>
        %add3A_416 = arith.addi %mul3A_340, %add3A_415 : vector<16xi32>
        tpu.vector_store_idx %arg21[%add3A_416], %gather3A_413 : memref<16384xf32, #tpu.memory_space<vmem>>[vector<16xi32>], vector<16xf32>,
        %add3A_417 = arith.constant 1 : i32
        %add3A_418 = vector.broadcast %add3A_417 : i32 to vector<16xi32>
        %add3A_419 = arith.addi %mul3A_409, %add3A_418 : vector<16xi32>
        %gather3A_420 = tpu.vector_load_idx %arg20[%add3A_419] : memref<32xf32, #tpu.memory_space<vmem>>[vector<16xi32>], vector<16xf32>,
        %add3A_421 = arith.constant 25 : i32
        %add3A_422 = vector.broadcast %add3A_421 : i32 to vector<16xi32>
        %add3A_423 = arith.addi %mul3A_340, %add3A_422 : vector<16xi32>
        tpu.vector_store_idx %arg21[%add3A_423], %gather3A_420 : memref<16384xf32, #tpu.memory_space<vmem>>[vector<16xi32>], vector<16xf32>,
        %add3A_424 = arith.constant 2 : i32
        %add3A_425 = vector.broadcast %add3A_424 : i32 to vector<16xi32>
        %add3A_426 = arith.addi %mul3A_409, %add3A_425 : vector<16xi32>
        %gather3A_427 = tpu.vector_load_idx %arg20[%add3A_426] : memref<32xf32, #tpu.memory_space<vmem>>[vector<16xi32>], vector<16xf32>,
        %add3A_428 = arith.constant 26 : i32
        %add3A_429 = vector.broadcast %add3A_428 : i32 to vector<16xi32>
        %add3A_430 = arith.addi %mul3A_340, %add3A_429 : vector<16xi32>
        tpu.vector_store_idx %arg21[%add3A_430], %gather3A_427 : memref<16384xf32, #tpu.memory_space<vmem>>[vector<16xi32>], vector<16xf32>,
        %add3A_431 = arith.constant 3 : i32
        %add3A_432 = vector.broadcast %add3A_431 : i32 to vector<16xi32>
        %add3A_433 = arith.addi %mul3A_409, %add3A_432 : vector<16xi32>
        %gather3A_434 = tpu.vector_load_idx %arg20[%add3A_433] : memref<32xf32, #tpu.memory_space<vmem>>[vector<16xi32>], vector<16xf32>,
        %add3A_435 = arith.constant 27 : i32
        %add3A_436 = vector.broadcast %add3A_435 : i32 to vector<16xi32>
        %add3A_437 = arith.addi %mul3A_340, %add3A_436 : vector<16xi32>
        tpu.vector_store_idx %arg21[%add3A_437], %gather3A_434 : memref<16384xf32, #tpu.memory_space<vmem>>[vector<16xi32>], vector<16xf32>,
        %mul3A_438 = arith.constant 16 : i32
        %mul3A_439 = arith.muli %scan3A_10, %mul3A_438 : i32
        %add3A_440 = arith.constant 28 : i32
        %add3A_441 = vector.broadcast %add3A_440 : i32 to vector<16xi32>
        %add3A_442 = arith.addi %mul3A_340, %add3A_441 : vector<16xi32>
        %get3A_443 = arith.index_cast %mul3A_439 : i32 to index
        %get3A_444 = tpu.vector_load %arg16[%get3A_443] {strides = array<i32>} : memref<512xf32, #tpu.memory_space<vmem>>, vector<16xf32>,
        tpu.vector_store_idx %arg21[%add3A_442], %get3A_444 : memref<16384xf32, #tpu.memory_space<vmem>>[vector<16xi32>], vector<16xf32>,
        %add3A_445 = arith.constant 29 : i32
        %add3A_446 = vector.broadcast %add3A_445 : i32 to vector<16xi32>
        %add3A_447 = arith.addi %mul3A_340, %add3A_446 : vector<16xi32>
        %get3A_448 = arith.index_cast %mul3A_439 : i32 to index
        %get3A_449 = tpu.vector_load %arg17[%get3A_448] {strides = array<i32>} : memref<512xf32, #tpu.memory_space<vmem>>, vector<16xf32>,
        tpu.vector_store_idx %arg21[%add3A_447], %get3A_449 : memref<16384xf32, #tpu.memory_space<vmem>>[vector<16xi32>], vector<16xf32>,
        %add3A_450 = arith.constant 30 : i32
        %add3A_451 = vector.broadcast %add3A_450 : i32 to vector<16xi32>
        %add3A_452 = arith.addi %mul3A_340, %add3A_451 : vector<16xi32>
        %get3A_453 = arith.index_cast %mul3A_439 : i32 to index
        %get3A_454 = tpu.vector_load %arg18[%get3A_453] {strides = array<i32>} : memref<512xf32, #tpu.memory_space<vmem>>, vector<16xf32>,
        tpu.vector_store_idx %arg21[%add3A_452], %get3A_454 : memref<16384xf32, #tpu.memory_space<vmem>>[vector<16xi32>], vector<16xf32>,
        %add3A_455 = arith.constant 31 : i32
        %add3A_456 = vector.broadcast %add3A_455 : i32 to vector<16xi32>
        %add3A_457 = arith.addi %mul3A_340, %add3A_456 : vector<16xi32>
        tpu.vector_store_idx %arg21[%add3A_457], %broadcast_in_dim3A_3 : memref<16384xf32, #tpu.memory_space<vmem>>[vector<16xi32>], vector<16xf32>,
      } else {
      }
      %gt3A = arith.constant 1 : i32
      %gt3A_13 = arith.cmpi sgt, %scan3A_10, %gt3A : i32
      %convert_element_type3A_14 = arith.extui %gt3A_13 : i1 to i32
      %cond3A_15 = arith.constant 0 : i32
      %cond3A_16 = arith.cmpi ne, %convert_element_type3A_14, %cond3A_15 : i32
      scf.if %cond3A_16 {
        %sub3A = arith.constant 2 : i32
        %sub3A_17 = arith.subi %scan3A_10, %sub3A : i32
        %mul3A_18 = arith.constant 16 : i32
        %mul3A_19 = arith.muli %sub3A_17, %mul3A_18 : i32
        %get3A = arith.index_cast %mul3A_19 : i32 to index
        %get3A_20 = tpu.vector_load %arg12[%get3A] {strides = array<i32>} : memref<512xi32, #tpu.memory_space<vmem>>, vector<16xi32>,
        %and3A = arith.constant 127 : i32
        %and3A_21 = vector.broadcast %and3A : i32 to vector<16xi32>
        %and3A_22 = arith.andi %get3A_20, %and3A_21 : vector<16xi32>
        %jit3A = arith.constant 3 : i32
        %eq3A = arith.constant 0 : i32
        %eq3A_23 = arith.cmpi eq, %jit3A, %eq3A : i32
        %jit3A_24 = arith.constant 1 : i32
        %select_n3A = arith.select %eq3A_23, %jit3A_24, %jit3A : i32
        %rem3A = arith.remsi %sub3A_17, %select_n3A : i32
        %ne3A = arith.constant 0 : i32
        %ne3A_25 = arith.cmpi ne, %rem3A, %ne3A : i32
        %lt3A_26 = arith.constant 0 : i32
        %lt3A_27 = arith.cmpi slt, %rem3A, %lt3A_26 : i32
        %lt3A_28 = arith.constant 0 : i32
        %lt3A_29 = arith.cmpi slt, %select_n3A, %lt3A_28 : i32
        %ne3A_30 = arith.xori %lt3A_27, %lt3A_29 : i1
        %and3A_31 = arith.andi %ne3A_30, %ne3A_25 : i1
        %add3A_32 = arith.addi %rem3A, %select_n3A : i32
        %select_n3A_33 = arith.select %and3A_31, %add3A_32, %rem3A : i32
        %mul3A_34 = arith.constant 16 : i32
        %mul3A_35 = arith.muli %select_n3A_33, %mul3A_34 : i32
        %add3A_36 = arith.constant 0 : i32
        %add3A_37 = arith.addi %mul3A_35, %add3A_36 : i32
        %dma_wait3A = arith.constant 0 : i32
        %dma_wait3A_38 = arith.constant 0 : i32
        %dma_wait3A_39 = tpu.memref_slice %arg13[%add3A_37, %dma_wait3A, %dma_wait3A_38] : memref<48x16x128xf32, #tpu.memory_space<vmem>> -> memref<1x16x128xf32, #tpu.memory_space<vmem>>
        %dma_wait3A_40 = tpu.memref_squeeze %dma_wait3A_39 : memref<1x16x128xf32, #tpu.memory_space<vmem>> -> memref<16x128xf32, #tpu.memory_space<vmem>>
        %dma_wait3A_41 = arith.constant 0 : i32
        %dma_wait3A_42 = arith.constant 0 : i32
        %dma_wait3A_43 = tpu.memref_slice %arg2[%dma_wait3A_41, %dma_wait3A_42] : memref<16x1000000xf32, #tpu.memory_space<hbm>> -> memref<16x128xf32, #tpu.memory_space<hbm>>
        %dma_wait3A_44 = arith.constant 0 : i32
        %dma_wait3A_45 = arith.constant 0 : i32
        %dma_wait3A_46 = tpu.memref_slice %arg13[%add3A_37, %dma_wait3A_44, %dma_wait3A_45] : memref<48x16x128xf32, #tpu.memory_space<vmem>> -> memref<1x16x128xf32, #tpu.memory_space<vmem>>
        %dma_wait3A_47 = tpu.memref_squeeze %dma_wait3A_46 : memref<1x16x128xf32, #tpu.memory_space<vmem>> -> memref<16x128xf32, #tpu.memory_space<vmem>>
        %dma_wait3A_48 = arith.constant 0 : i32
        %dma_wait3A_49 = arith.constant 0 : i32
        %dma_wait3A_50 = tpu.memref_slice %arg2[%dma_wait3A_48, %dma_wait3A_49] : memref<16x1000000xf32, #tpu.memory_space<hbm>> -> memref<16x128xf32, #tpu.memory_space<hbm>>
        tpu.wait_dma2 semaphore(%arg22 : memref<!tpu.dma_semaphore, #tpu.memory_space<semaphore_mem>>) src(%dma_wait3A_50 : memref<16x128xf32, #tpu.memory_space<hbm>>) dst(%dma_wait3A_47 : memref<16x128xf32, #tpu.memory_space<vmem>>)
        %add3A_51 = arith.constant 1 : i32
        %add3A_52 = arith.addi %mul3A_35, %add3A_51 : i32
        %dma_wait3A_53 = arith.constant 0 : i32
        %dma_wait3A_54 = arith.constant 0 : i32
        %dma_wait3A_55 = tpu.memref_slice %arg13[%add3A_52, %dma_wait3A_53, %dma_wait3A_54] : memref<48x16x128xf32, #tpu.memory_space<vmem>> -> memref<1x16x128xf32, #tpu.memory_space<vmem>>
        %dma_wait3A_56 = tpu.memref_squeeze %dma_wait3A_55 : memref<1x16x128xf32, #tpu.memory_space<vmem>> -> memref<16x128xf32, #tpu.memory_space<vmem>>
        %dma_wait3A_57 = arith.constant 0 : i32
        %dma_wait3A_58 = arith.constant 0 : i32
        %dma_wait3A_59 = tpu.memref_slice %arg2[%dma_wait3A_57, %dma_wait3A_58] : memref<16x1000000xf32, #tpu.memory_space<hbm>> -> memref<16x128xf32, #tpu.memory_space<hbm>>
        %dma_wait3A_60 = arith.constant 0 : i32
        %dma_wait3A_61 = arith.constant 0 : i32
        %dma_wait3A_62 = tpu.memref_slice %arg13[%add3A_52, %dma_wait3A_60, %dma_wait3A_61] : memref<48x16x128xf32, #tpu.memory_space<vmem>> -> memref<1x16x128xf32, #tpu.memory_space<vmem>>
        %dma_wait3A_63 = tpu.memref_squeeze %dma_wait3A_62 : memref<1x16x128xf32, #tpu.memory_space<vmem>> -> memref<16x128xf32, #tpu.memory_space<vmem>>
        %dma_wait3A_64 = arith.constant 0 : i32
        %dma_wait3A_65 = arith.constant 0 : i32
        %dma_wait3A_66 = tpu.memref_slice %arg2[%dma_wait3A_64, %dma_wait3A_65] : memref<16x1000000xf32, #tpu.memory_space<hbm>> -> memref<16x128xf32, #tpu.memory_space<hbm>>
        tpu.wait_dma2 semaphore(%arg22 : memref<!tpu.dma_semaphore, #tpu.memory_space<semaphore_mem>>) src(%dma_wait3A_66 : memref<16x128xf32, #tpu.memory_space<hbm>>) dst(%dma_wait3A_63 : memref<16x128xf32, #tpu.memory_space<vmem>>)
        %add3A_67 = arith.constant 2 : i32
        %add3A_68 = arith.addi %mul3A_35, %add3A_67 : i32
        %dma_wait3A_69 = arith.constant 0 : i32
        %dma_wait3A_70 = arith.constant 0 : i32
        %dma_wait3A_71 = tpu.memref_slice %arg13[%add3A_68, %dma_wait3A_69, %dma_wait3A_70] : memref<48x16x128xf32, #tpu.memory_space<vmem>> -> memref<1x16x128xf32, #tpu.memory_space<vmem>>
        %dma_wait3A_72 = tpu.memref_squeeze %dma_wait3A_71 : memref<1x16x128xf32, #tpu.memory_space<vmem>> -> memref<16x128xf32, #tpu.memory_space<vmem>>
        %dma_wait3A_73 = arith.constant 0 : i32
        %dma_wait3A_74 = arith.constant 0 : i32
        %dma_wait3A_75 = tpu.memref_slice %arg2[%dma_wait3A_73, %dma_wait3A_74] : memref<16x1000000xf32, #tpu.memory_space<hbm>> -> memref<16x128xf32, #tpu.memory_space<hbm>>
        %dma_wait3A_76 = arith.constant 0 : i32
        %dma_wait3A_77 = arith.constant 0 : i32
        %dma_wait3A_78 = tpu.memref_slice %arg13[%add3A_68, %dma_wait3A_76, %dma_wait3A_77] : memref<48x16x128xf32, #tpu.memory_space<vmem>> -> memref<1x16x128xf32, #tpu.memory_space<vmem>>
        %dma_wait3A_79 = tpu.memref_squeeze %dma_wait3A_78 : memref<1x16x128xf32, #tpu.memory_space<vmem>> -> memref<16x128xf32, #tpu.memory_space<vmem>>
        %dma_wait3A_80 = arith.constant 0 : i32
        %dma_wait3A_81 = arith.constant 0 : i32
        %dma_wait3A_82 = tpu.memref_slice %arg2[%dma_wait3A_80, %dma_wait3A_81] : memref<16x1000000xf32, #tpu.memory_space<hbm>> -> memref<16x128xf32, #tpu.memory_space<hbm>>
        tpu.wait_dma2 semaphore(%arg22 : memref<!tpu.dma_semaphore, #tpu.memory_space<semaphore_mem>>) src(%dma_wait3A_82 : memref<16x128xf32, #tpu.memory_space<hbm>>) dst(%dma_wait3A_79 : memref<16x128xf32, #tpu.memory_space<vmem>>)
        %add3A_83 = arith.constant 3 : i32
        %add3A_84 = arith.addi %mul3A_35, %add3A_83 : i32
        %dma_wait3A_85 = arith.constant 0 : i32
        %dma_wait3A_86 = arith.constant 0 : i32
        %dma_wait3A_87 = tpu.memref_slice %arg13[%add3A_84, %dma_wait3A_85, %dma_wait3A_86] : memref<48x16x128xf32, #tpu.memory_space<vmem>> -> memref<1x16x128xf32, #tpu.memory_space<vmem>>
        %dma_wait3A_88 = tpu.memref_squeeze %dma_wait3A_87 : memref<1x16x128xf32, #tpu.memory_space<vmem>> -> memref<16x128xf32, #tpu.memory_space<vmem>>
        %dma_wait3A_89 = arith.constant 0 : i32
        %dma_wait3A_90 = arith.constant 0 : i32
        %dma_wait3A_91 = tpu.memref_slice %arg2[%dma_wait3A_89, %dma_wait3A_90] : memref<16x1000000xf32, #tpu.memory_space<hbm>> -> memref<16x128xf32, #tpu.memory_space<hbm>>
        %dma_wait3A_92 = arith.constant 0 : i32
        %dma_wait3A_93 = arith.constant 0 : i32
        %dma_wait3A_94 = tpu.memref_slice %arg13[%add3A_84, %dma_wait3A_92, %dma_wait3A_93] : memref<48x16x128xf32, #tpu.memory_space<vmem>> -> memref<1x16x128xf32, #tpu.memory_space<vmem>>
        %dma_wait3A_95 = tpu.memref_squeeze %dma_wait3A_94 : memref<1x16x128xf32, #tpu.memory_space<vmem>> -> memref<16x128xf32, #tpu.memory_space<vmem>>
        %dma_wait3A_96 = arith.constant 0 : i32
        %dma_wait3A_97 = arith.constant 0 : i32
        %dma_wait3A_98 = tpu.memref_slice %arg2[%dma_wait3A_96, %dma_wait3A_97] : memref<16x1000000xf32, #tpu.memory_space<hbm>> -> memref<16x128xf32, #tpu.memory_space<hbm>>
        tpu.wait_dma2 semaphore(%arg22 : memref<!tpu.dma_semaphore, #tpu.memory_space<semaphore_mem>>) src(%dma_wait3A_98 : memref<16x128xf32, #tpu.memory_space<hbm>>) dst(%dma_wait3A_95 : memref<16x128xf32, #tpu.memory_space<vmem>>)
        %add3A_99 = arith.constant 4 : i32
        %add3A_100 = arith.addi %mul3A_35, %add3A_99 : i32
        %dma_wait3A_101 = arith.constant 0 : i32
        %dma_wait3A_102 = arith.constant 0 : i32
        %dma_wait3A_103 = tpu.memref_slice %arg13[%add3A_100, %dma_wait3A_101, %dma_wait3A_102] : memref<48x16x128xf32, #tpu.memory_space<vmem>> -> memref<1x16x128xf32, #tpu.memory_space<vmem>>
        %dma_wait3A_104 = tpu.memref_squeeze %dma_wait3A_103 : memref<1x16x128xf32, #tpu.memory_space<vmem>> -> memref<16x128xf32, #tpu.memory_space<vmem>>
        %dma_wait3A_105 = arith.constant 0 : i32
        %dma_wait3A_106 = arith.constant 0 : i32
        %dma_wait3A_107 = tpu.memref_slice %arg2[%dma_wait3A_105, %dma_wait3A_106] : memref<16x1000000xf32, #tpu.memory_space<hbm>> -> memref<16x128xf32, #tpu.memory_space<hbm>>
        %dma_wait3A_108 = arith.constant 0 : i32
        %dma_wait3A_109 = arith.constant 0 : i32
        %dma_wait3A_110 = tpu.memref_slice %arg13[%add3A_100, %dma_wait3A_108, %dma_wait3A_109] : memref<48x16x128xf32, #tpu.memory_space<vmem>> -> memref<1x16x128xf32, #tpu.memory_space<vmem>>
        %dma_wait3A_111 = tpu.memref_squeeze %dma_wait3A_110 : memref<1x16x128xf32, #tpu.memory_space<vmem>> -> memref<16x128xf32, #tpu.memory_space<vmem>>
        %dma_wait3A_112 = arith.constant 0 : i32
        %dma_wait3A_113 = arith.constant 0 : i32
        %dma_wait3A_114 = tpu.memref_slice %arg2[%dma_wait3A_112, %dma_wait3A_113] : memref<16x1000000xf32, #tpu.memory_space<hbm>> -> memref<16x128xf32, #tpu.memory_space<hbm>>
        tpu.wait_dma2 semaphore(%arg22 : memref<!tpu.dma_semaphore, #tpu.memory_space<semaphore_mem>>) src(%dma_wait3A_114 : memref<16x128xf32, #tpu.memory_space<hbm>>) dst(%dma_wait3A_111 : memref<16x128xf32, #tpu.memory_space<vmem>>)
        %add3A_115 = arith.constant 5 : i32
        %add3A_116 = arith.addi %mul3A_35, %add3A_115 : i32
        %dma_wait3A_117 = arith.constant 0 : i32
        %dma_wait3A_118 = arith.constant 0 : i32
        %dma_wait3A_119 = tpu.memref_slice %arg13[%add3A_116, %dma_wait3A_117, %dma_wait3A_118] : memref<48x16x128xf32, #tpu.memory_space<vmem>> -> memref<1x16x128xf32, #tpu.memory_space<vmem>>
        %dma_wait3A_120 = tpu.memref_squeeze %dma_wait3A_119 : memref<1x16x128xf32, #tpu.memory_space<vmem>> -> memref<16x128xf32, #tpu.memory_space<vmem>>
        %dma_wait3A_121 = arith.constant 0 : i32
        %dma_wait3A_122 = arith.constant 0 : i32
        %dma_wait3A_123 = tpu.memref_slice %arg2[%dma_wait3A_121, %dma_wait3A_122] : memref<16x1000000xf32, #tpu.memory_space<hbm>> -> memref<16x128xf32, #tpu.memory_space<hbm>>
        %dma_wait3A_124 = arith.constant 0 : i32
        %dma_wait3A_125 = arith.constant 0 : i32
        %dma_wait3A_126 = tpu.memref_slice %arg13[%add3A_116, %dma_wait3A_124, %dma_wait3A_125] : memref<48x16x128xf32, #tpu.memory_space<vmem>> -> memref<1x16x128xf32, #tpu.memory_space<vmem>>
        %dma_wait3A_127 = tpu.memref_squeeze %dma_wait3A_126 : memref<1x16x128xf32, #tpu.memory_space<vmem>> -> memref<16x128xf32, #tpu.memory_space<vmem>>
        %dma_wait3A_128 = arith.constant 0 : i32
        %dma_wait3A_129 = arith.constant 0 : i32
        %dma_wait3A_130 = tpu.memref_slice %arg2[%dma_wait3A_128, %dma_wait3A_129] : memref<16x1000000xf32, #tpu.memory_space<hbm>> -> memref<16x128xf32, #tpu.memory_space<hbm>>
        tpu.wait_dma2 semaphore(%arg22 : memref<!tpu.dma_semaphore, #tpu.memory_space<semaphore_mem>>) src(%dma_wait3A_130 : memref<16x128xf32, #tpu.memory_space<hbm>>) dst(%dma_wait3A_127 : memref<16x128xf32, #tpu.memory_space<vmem>>)
        %add3A_131 = arith.constant 6 : i32
        %add3A_132 = arith.addi %mul3A_35, %add3A_131 : i32
        %dma_wait3A_133 = arith.constant 0 : i32
        %dma_wait3A_134 = arith.constant 0 : i32
        %dma_wait3A_135 = tpu.memref_slice %arg13[%add3A_132, %dma_wait3A_133, %dma_wait3A_134] : memref<48x16x128xf32, #tpu.memory_space<vmem>> -> memref<1x16x128xf32, #tpu.memory_space<vmem>>
        %dma_wait3A_136 = tpu.memref_squeeze %dma_wait3A_135 : memref<1x16x128xf32, #tpu.memory_space<vmem>> -> memref<16x128xf32, #tpu.memory_space<vmem>>
        %dma_wait3A_137 = arith.constant 0 : i32
        %dma_wait3A_138 = arith.constant 0 : i32
        %dma_wait3A_139 = tpu.memref_slice %arg2[%dma_wait3A_137, %dma_wait3A_138] : memref<16x1000000xf32, #tpu.memory_space<hbm>> -> memref<16x128xf32, #tpu.memory_space<hbm>>
        %dma_wait3A_140 = arith.constant 0 : i32
        %dma_wait3A_141 = arith.constant 0 : i32
        %dma_wait3A_142 = tpu.memref_slice %arg13[%add3A_132, %dma_wait3A_140, %dma_wait3A_141] : memref<48x16x128xf32, #tpu.memory_space<vmem>> -> memref<1x16x128xf32, #tpu.memory_space<vmem>>
        %dma_wait3A_143 = tpu.memref_squeeze %dma_wait3A_142 : memref<1x16x128xf32, #tpu.memory_space<vmem>> -> memref<16x128xf32, #tpu.memory_space<vmem>>
        %dma_wait3A_144 = arith.constant 0 : i32
        %dma_wait3A_145 = arith.constant 0 : i32
        %dma_wait3A_146 = tpu.memref_slice %arg2[%dma_wait3A_144, %dma_wait3A_145] : memref<16x1000000xf32, #tpu.memory_space<hbm>> -> memref<16x128xf32, #tpu.memory_space<hbm>>
        tpu.wait_dma2 semaphore(%arg22 : memref<!tpu.dma_semaphore, #tpu.memory_space<semaphore_mem>>) src(%dma_wait3A_146 : memref<16x128xf32, #tpu.memory_space<hbm>>) dst(%dma_wait3A_143 : memref<16x128xf32, #tpu.memory_space<vmem>>)
        %add3A_147 = arith.constant 7 : i32
        %add3A_148 = arith.addi %mul3A_35, %add3A_147 : i32
        %dma_wait3A_149 = arith.constant 0 : i32
        %dma_wait3A_150 = arith.constant 0 : i32
        %dma_wait3A_151 = tpu.memref_slice %arg13[%add3A_148, %dma_wait3A_149, %dma_wait3A_150] : memref<48x16x128xf32, #tpu.memory_space<vmem>> -> memref<1x16x128xf32, #tpu.memory_space<vmem>>
        %dma_wait3A_152 = tpu.memref_squeeze %dma_wait3A_151 : memref<1x16x128xf32, #tpu.memory_space<vmem>> -> memref<16x128xf32, #tpu.memory_space<vmem>>
        %dma_wait3A_153 = arith.constant 0 : i32
        %dma_wait3A_154 = arith.constant 0 : i32
        %dma_wait3A_155 = tpu.memref_slice %arg2[%dma_wait3A_153, %dma_wait3A_154] : memref<16x1000000xf32, #tpu.memory_space<hbm>> -> memref<16x128xf32, #tpu.memory_space<hbm>>
        %dma_wait3A_156 = arith.constant 0 : i32
        %dma_wait3A_157 = arith.constant 0 : i32
        %dma_wait3A_158 = tpu.memref_slice %arg13[%add3A_148, %dma_wait3A_156, %dma_wait3A_157] : memref<48x16x128xf32, #tpu.memory_space<vmem>> -> memref<1x16x128xf32, #tpu.memory_space<vmem>>
        %dma_wait3A_159 = tpu.memref_squeeze %dma_wait3A_158 : memref<1x16x128xf32, #tpu.memory_space<vmem>> -> memref<16x128xf32, #tpu.memory_space<vmem>>
        %dma_wait3A_160 = arith.constant 0 : i32
        %dma_wait3A_161 = arith.constant 0 : i32
        %dma_wait3A_162 = tpu.memref_slice %arg2[%dma_wait3A_160, %dma_wait3A_161] : memref<16x1000000xf32, #tpu.memory_space<hbm>> -> memref<16x128xf32, #tpu.memory_space<hbm>>
        tpu.wait_dma2 semaphore(%arg22 : memref<!tpu.dma_semaphore, #tpu.memory_space<semaphore_mem>>) src(%dma_wait3A_162 : memref<16x128xf32, #tpu.memory_space<hbm>>) dst(%dma_wait3A_159 : memref<16x128xf32, #tpu.memory_space<vmem>>)
        %add3A_163 = arith.constant 8 : i32
        %add3A_164 = arith.addi %mul3A_35, %add3A_163 : i32
        %dma_wait3A_165 = arith.constant 0 : i32
        %dma_wait3A_166 = arith.constant 0 : i32
        %dma_wait3A_167 = tpu.memref_slice %arg13[%add3A_164, %dma_wait3A_165, %dma_wait3A_166] : memref<48x16x128xf32, #tpu.memory_space<vmem>> -> memref<1x16x128xf32, #tpu.memory_space<vmem>>
        %dma_wait3A_168 = tpu.memref_squeeze %dma_wait3A_167 : memref<1x16x128xf32, #tpu.memory_space<vmem>> -> memref<16x128xf32, #tpu.memory_space<vmem>>
        %dma_wait3A_169 = arith.constant 0 : i32
        %dma_wait3A_170 = arith.constant 0 : i32
        %dma_wait3A_171 = tpu.memref_slice %arg2[%dma_wait3A_169, %dma_wait3A_170] : memref<16x1000000xf32, #tpu.memory_space<hbm>> -> memref<16x128xf32, #tpu.memory_space<hbm>>
        %dma_wait3A_172 = arith.constant 0 : i32
        %dma_wait3A_173 = arith.constant 0 : i32
        %dma_wait3A_174 = tpu.memref_slice %arg13[%add3A_164, %dma_wait3A_172, %dma_wait3A_173] : memref<48x16x128xf32, #tpu.memory_space<vmem>> -> memref<1x16x128xf32, #tpu.memory_space<vmem>>
        %dma_wait3A_175 = tpu.memref_squeeze %dma_wait3A_174 : memref<1x16x128xf32, #tpu.memory_space<vmem>> -> memref<16x128xf32, #tpu.memory_space<vmem>>
        %dma_wait3A_176 = arith.constant 0 : i32
        %dma_wait3A_177 = arith.constant 0 : i32
        %dma_wait3A_178 = tpu.memref_slice %arg2[%dma_wait3A_176, %dma_wait3A_177] : memref<16x1000000xf32, #tpu.memory_space<hbm>> -> memref<16x128xf32, #tpu.memory_space<hbm>>
        tpu.wait_dma2 semaphore(%arg22 : memref<!tpu.dma_semaphore, #tpu.memory_space<semaphore_mem>>) src(%dma_wait3A_178 : memref<16x128xf32, #tpu.memory_space<hbm>>) dst(%dma_wait3A_175 : memref<16x128xf32, #tpu.memory_space<vmem>>)
        %add3A_179 = arith.constant 9 : i32
        %add3A_180 = arith.addi %mul3A_35, %add3A_179 : i32
        %dma_wait3A_181 = arith.constant 0 : i32
        %dma_wait3A_182 = arith.constant 0 : i32
        %dma_wait3A_183 = tpu.memref_slice %arg13[%add3A_180, %dma_wait3A_181, %dma_wait3A_182] : memref<48x16x128xf32, #tpu.memory_space<vmem>> -> memref<1x16x128xf32, #tpu.memory_space<vmem>>
        %dma_wait3A_184 = tpu.memref_squeeze %dma_wait3A_183 : memref<1x16x128xf32, #tpu.memory_space<vmem>> -> memref<16x128xf32, #tpu.memory_space<vmem>>
        %dma_wait3A_185 = arith.constant 0 : i32
        %dma_wait3A_186 = arith.constant 0 : i32
        %dma_wait3A_187 = tpu.memref_slice %arg2[%dma_wait3A_185, %dma_wait3A_186] : memref<16x1000000xf32, #tpu.memory_space<hbm>> -> memref<16x128xf32, #tpu.memory_space<hbm>>
        %dma_wait3A_188 = arith.constant 0 : i32
        %dma_wait3A_189 = arith.constant 0 : i32
        %dma_wait3A_190 = tpu.memref_slice %arg13[%add3A_180, %dma_wait3A_188, %dma_wait3A_189] : memref<48x16x128xf32, #tpu.memory_space<vmem>> -> memref<1x16x128xf32, #tpu.memory_space<vmem>>
        %dma_wait3A_191 = tpu.memref_squeeze %dma_wait3A_190 : memref<1x16x128xf32, #tpu.memory_space<vmem>> -> memref<16x128xf32, #tpu.memory_space<vmem>>
        %dma_wait3A_192 = arith.constant 0 : i32
        %dma_wait3A_193 = arith.constant 0 : i32
        %dma_wait3A_194 = tpu.memref_slice %arg2[%dma_wait3A_192, %dma_wait3A_193] : memref<16x1000000xf32, #tpu.memory_space<hbm>> -> memref<16x128xf32, #tpu.memory_space<hbm>>
        tpu.wait_dma2 semaphore(%arg22 : memref<!tpu.dma_semaphore, #tpu.memory_space<semaphore_mem>>) src(%dma_wait3A_194 : memref<16x128xf32, #tpu.memory_space<hbm>>) dst(%dma_wait3A_191 : memref<16x128xf32, #tpu.memory_space<vmem>>)
        %add3A_195 = arith.constant 10 : i32
        %add3A_196 = arith.addi %mul3A_35, %add3A_195 : i32
        %dma_wait3A_197 = arith.constant 0 : i32
        %dma_wait3A_198 = arith.constant 0 : i32
        %dma_wait3A_199 = tpu.memref_slice %arg13[%add3A_196, %dma_wait3A_197, %dma_wait3A_198] : memref<48x16x128xf32, #tpu.memory_space<vmem>> -> memref<1x16x128xf32, #tpu.memory_space<vmem>>
        %dma_wait3A_200 = tpu.memref_squeeze %dma_wait3A_199 : memref<1x16x128xf32, #tpu.memory_space<vmem>> -> memref<16x128xf32, #tpu.memory_space<vmem>>
        %dma_wait3A_201 = arith.constant 0 : i32
        %dma_wait3A_202 = arith.constant 0 : i32
        %dma_wait3A_203 = tpu.memref_slice %arg2[%dma_wait3A_201, %dma_wait3A_202] : memref<16x1000000xf32, #tpu.memory_space<hbm>> -> memref<16x128xf32, #tpu.memory_space<hbm>>
        %dma_wait3A_204 = arith.constant 0 : i32
        %dma_wait3A_205 = arith.constant 0 : i32
        %dma_wait3A_206 = tpu.memref_slice %arg13[%add3A_196, %dma_wait3A_204, %dma_wait3A_205] : memref<48x16x128xf32, #tpu.memory_space<vmem>> -> memref<1x16x128xf32, #tpu.memory_space<vmem>>
        %dma_wait3A_207 = tpu.memref_squeeze %dma_wait3A_206 : memref<1x16x128xf32, #tpu.memory_space<vmem>> -> memref<16x128xf32, #tpu.memory_space<vmem>>
        %dma_wait3A_208 = arith.constant 0 : i32
        %dma_wait3A_209 = arith.constant 0 : i32
        %dma_wait3A_210 = tpu.memref_slice %arg2[%dma_wait3A_208, %dma_wait3A_209] : memref<16x1000000xf32, #tpu.memory_space<hbm>> -> memref<16x128xf32, #tpu.memory_space<hbm>>
        tpu.wait_dma2 semaphore(%arg22 : memref<!tpu.dma_semaphore, #tpu.memory_space<semaphore_mem>>) src(%dma_wait3A_210 : memref<16x128xf32, #tpu.memory_space<hbm>>) dst(%dma_wait3A_207 : memref<16x128xf32, #tpu.memory_space<vmem>>)
        %add3A_211 = arith.constant 11 : i32
        %add3A_212 = arith.addi %mul3A_35, %add3A_211 : i32
        %dma_wait3A_213 = arith.constant 0 : i32
        %dma_wait3A_214 = arith.constant 0 : i32
        %dma_wait3A_215 = tpu.memref_slice %arg13[%add3A_212, %dma_wait3A_213, %dma_wait3A_214] : memref<48x16x128xf32, #tpu.memory_space<vmem>> -> memref<1x16x128xf32, #tpu.memory_space<vmem>>
        %dma_wait3A_216 = tpu.memref_squeeze %dma_wait3A_215 : memref<1x16x128xf32, #tpu.memory_space<vmem>> -> memref<16x128xf32, #tpu.memory_space<vmem>>
        %dma_wait3A_217 = arith.constant 0 : i32
        %dma_wait3A_218 = arith.constant 0 : i32
        %dma_wait3A_219 = tpu.memref_slice %arg2[%dma_wait3A_217, %dma_wait3A_218] : memref<16x1000000xf32, #tpu.memory_space<hbm>> -> memref<16x128xf32, #tpu.memory_space<hbm>>
        %dma_wait3A_220 = arith.constant 0 : i32
        %dma_wait3A_221 = arith.constant 0 : i32
        %dma_wait3A_222 = tpu.memref_slice %arg13[%add3A_212, %dma_wait3A_220, %dma_wait3A_221] : memref<48x16x128xf32, #tpu.memory_space<vmem>> -> memref<1x16x128xf32, #tpu.memory_space<vmem>>
        %dma_wait3A_223 = tpu.memref_squeeze %dma_wait3A_222 : memref<1x16x128xf32, #tpu.memory_space<vmem>> -> memref<16x128xf32, #tpu.memory_space<vmem>>
        %dma_wait3A_224 = arith.constant 0 : i32
        %dma_wait3A_225 = arith.constant 0 : i32
        %dma_wait3A_226 = tpu.memref_slice %arg2[%dma_wait3A_224, %dma_wait3A_225] : memref<16x1000000xf32, #tpu.memory_space<hbm>> -> memref<16x128xf32, #tpu.memory_space<hbm>>
        tpu.wait_dma2 semaphore(%arg22 : memref<!tpu.dma_semaphore, #tpu.memory_space<semaphore_mem>>) src(%dma_wait3A_226 : memref<16x128xf32, #tpu.memory_space<hbm>>) dst(%dma_wait3A_223 : memref<16x128xf32, #tpu.memory_space<vmem>>)
        %add3A_227 = arith.constant 12 : i32
        %add3A_228 = arith.addi %mul3A_35, %add3A_227 : i32
        %dma_wait3A_229 = arith.constant 0 : i32
        %dma_wait3A_230 = arith.constant 0 : i32
        %dma_wait3A_231 = tpu.memref_slice %arg13[%add3A_228, %dma_wait3A_229, %dma_wait3A_230] : memref<48x16x128xf32, #tpu.memory_space<vmem>> -> memref<1x16x128xf32, #tpu.memory_space<vmem>>
        %dma_wait3A_232 = tpu.memref_squeeze %dma_wait3A_231 : memref<1x16x128xf32, #tpu.memory_space<vmem>> -> memref<16x128xf32, #tpu.memory_space<vmem>>
        %dma_wait3A_233 = arith.constant 0 : i32
        %dma_wait3A_234 = arith.constant 0 : i32
        %dma_wait3A_235 = tpu.memref_slice %arg2[%dma_wait3A_233, %dma_wait3A_234] : memref<16x1000000xf32, #tpu.memory_space<hbm>> -> memref<16x128xf32, #tpu.memory_space<hbm>>
        %dma_wait3A_236 = arith.constant 0 : i32
        %dma_wait3A_237 = arith.constant 0 : i32
        %dma_wait3A_238 = tpu.memref_slice %arg13[%add3A_228, %dma_wait3A_236, %dma_wait3A_237] : memref<48x16x128xf32, #tpu.memory_space<vmem>> -> memref<1x16x128xf32, #tpu.memory_space<vmem>>
        %dma_wait3A_239 = tpu.memref_squeeze %dma_wait3A_238 : memref<1x16x128xf32, #tpu.memory_space<vmem>> -> memref<16x128xf32, #tpu.memory_space<vmem>>
        %dma_wait3A_240 = arith.constant 0 : i32
        %dma_wait3A_241 = arith.constant 0 : i32
        %dma_wait3A_242 = tpu.memref_slice %arg2[%dma_wait3A_240, %dma_wait3A_241] : memref<16x1000000xf32, #tpu.memory_space<hbm>> -> memref<16x128xf32, #tpu.memory_space<hbm>>
        tpu.wait_dma2 semaphore(%arg22 : memref<!tpu.dma_semaphore, #tpu.memory_space<semaphore_mem>>) src(%dma_wait3A_242 : memref<16x128xf32, #tpu.memory_space<hbm>>) dst(%dma_wait3A_239 : memref<16x128xf32, #tpu.memory_space<vmem>>)
        %add3A_243 = arith.constant 13 : i32
        %add3A_244 = arith.addi %mul3A_35, %add3A_243 : i32
        %dma_wait3A_245 = arith.constant 0 : i32
        %dma_wait3A_246 = arith.constant 0 : i32
        %dma_wait3A_247 = tpu.memref_slice %arg13[%add3A_244, %dma_wait3A_245, %dma_wait3A_246] : memref<48x16x128xf32, #tpu.memory_space<vmem>> -> memref<1x16x128xf32, #tpu.memory_space<vmem>>
        %dma_wait3A_248 = tpu.memref_squeeze %dma_wait3A_247 : memref<1x16x128xf32, #tpu.memory_space<vmem>> -> memref<16x128xf32, #tpu.memory_space<vmem>>
        %dma_wait3A_249 = arith.constant 0 : i32
        %dma_wait3A_250 = arith.constant 0 : i32
        %dma_wait3A_251 = tpu.memref_slice %arg2[%dma_wait3A_249, %dma_wait3A_250] : memref<16x1000000xf32, #tpu.memory_space<hbm>> -> memref<16x128xf32, #tpu.memory_space<hbm>>
        %dma_wait3A_252 = arith.constant 0 : i32
        %dma_wait3A_253 = arith.constant 0 : i32
        %dma_wait3A_254 = tpu.memref_slice %arg13[%add3A_244, %dma_wait3A_252, %dma_wait3A_253] : memref<48x16x128xf32, #tpu.memory_space<vmem>> -> memref<1x16x128xf32, #tpu.memory_space<vmem>>
        %dma_wait3A_255 = tpu.memref_squeeze %dma_wait3A_254 : memref<1x16x128xf32, #tpu.memory_space<vmem>> -> memref<16x128xf32, #tpu.memory_space<vmem>>
        %dma_wait3A_256 = arith.constant 0 : i32
        %dma_wait3A_257 = arith.constant 0 : i32
        %dma_wait3A_258 = tpu.memref_slice %arg2[%dma_wait3A_256, %dma_wait3A_257] : memref<16x1000000xf32, #tpu.memory_space<hbm>> -> memref<16x128xf32, #tpu.memory_space<hbm>>
        tpu.wait_dma2 semaphore(%arg22 : memref<!tpu.dma_semaphore, #tpu.memory_space<semaphore_mem>>) src(%dma_wait3A_258 : memref<16x128xf32, #tpu.memory_space<hbm>>) dst(%dma_wait3A_255 : memref<16x128xf32, #tpu.memory_space<vmem>>)
        %add3A_259 = arith.constant 14 : i32
        %add3A_260 = arith.addi %mul3A_35, %add3A_259 : i32
        %dma_wait3A_261 = arith.constant 0 : i32
        %dma_wait3A_262 = arith.constant 0 : i32
        %dma_wait3A_263 = tpu.memref_slice %arg13[%add3A_260, %dma_wait3A_261, %dma_wait3A_262] : memref<48x16x128xf32, #tpu.memory_space<vmem>> -> memref<1x16x128xf32, #tpu.memory_space<vmem>>
        %dma_wait3A_264 = tpu.memref_squeeze %dma_wait3A_263 : memref<1x16x128xf32, #tpu.memory_space<vmem>> -> memref<16x128xf32, #tpu.memory_space<vmem>>
        %dma_wait3A_265 = arith.constant 0 : i32
        %dma_wait3A_266 = arith.constant 0 : i32
        %dma_wait3A_267 = tpu.memref_slice %arg2[%dma_wait3A_265, %dma_wait3A_266] : memref<16x1000000xf32, #tpu.memory_space<hbm>> -> memref<16x128xf32, #tpu.memory_space<hbm>>
        %dma_wait3A_268 = arith.constant 0 : i32
        %dma_wait3A_269 = arith.constant 0 : i32
        %dma_wait3A_270 = tpu.memref_slice %arg13[%add3A_260, %dma_wait3A_268, %dma_wait3A_269] : memref<48x16x128xf32, #tpu.memory_space<vmem>> -> memref<1x16x128xf32, #tpu.memory_space<vmem>>
        %dma_wait3A_271 = tpu.memref_squeeze %dma_wait3A_270 : memref<1x16x128xf32, #tpu.memory_space<vmem>> -> memref<16x128xf32, #tpu.memory_space<vmem>>
        %dma_wait3A_272 = arith.constant 0 : i32
        %dma_wait3A_273 = arith.constant 0 : i32
        %dma_wait3A_274 = tpu.memref_slice %arg2[%dma_wait3A_272, %dma_wait3A_273] : memref<16x1000000xf32, #tpu.memory_space<hbm>> -> memref<16x128xf32, #tpu.memory_space<hbm>>
        tpu.wait_dma2 semaphore(%arg22 : memref<!tpu.dma_semaphore, #tpu.memory_space<semaphore_mem>>) src(%dma_wait3A_274 : memref<16x128xf32, #tpu.memory_space<hbm>>) dst(%dma_wait3A_271 : memref<16x128xf32, #tpu.memory_space<vmem>>)
        %add3A_275 = arith.constant 15 : i32
        %add3A_276 = arith.addi %mul3A_35, %add3A_275 : i32
        %dma_wait3A_277 = arith.constant 0 : i32
        %dma_wait3A_278 = arith.constant 0 : i32
        %dma_wait3A_279 = tpu.memref_slice %arg13[%add3A_276, %dma_wait3A_277, %dma_wait3A_278] : memref<48x16x128xf32, #tpu.memory_space<vmem>> -> memref<1x16x128xf32, #tpu.memory_space<vmem>>
        %dma_wait3A_280 = tpu.memref_squeeze %dma_wait3A_279 : memref<1x16x128xf32, #tpu.memory_space<vmem>> -> memref<16x128xf32, #tpu.memory_space<vmem>>
        %dma_wait3A_281 = arith.constant 0 : i32
        %dma_wait3A_282 = arith.constant 0 : i32
        %dma_wait3A_283 = tpu.memref_slice %arg2[%dma_wait3A_281, %dma_wait3A_282] : memref<16x1000000xf32, #tpu.memory_space<hbm>> -> memref<16x128xf32, #tpu.memory_space<hbm>>
        %dma_wait3A_284 = arith.constant 0 : i32
        %dma_wait3A_285 = arith.constant 0 : i32
        %dma_wait3A_286 = tpu.memref_slice %arg13[%add3A_276, %dma_wait3A_284, %dma_wait3A_285] : memref<48x16x128xf32, #tpu.memory_space<vmem>> -> memref<1x16x128xf32, #tpu.memory_space<vmem>>
        %dma_wait3A_287 = tpu.memref_squeeze %dma_wait3A_286 : memref<1x16x128xf32, #tpu.memory_space<vmem>> -> memref<16x128xf32, #tpu.memory_space<vmem>>
        %dma_wait3A_288 = arith.constant 0 : i32
        %dma_wait3A_289 = arith.constant 0 : i32
        %dma_wait3A_290 = tpu.memref_slice %arg2[%dma_wait3A_288, %dma_wait3A_289] : memref<16x1000000xf32, #tpu.memory_space<hbm>> -> memref<16x128xf32, #tpu.memory_space<hbm>>
        tpu.wait_dma2 semaphore(%arg22 : memref<!tpu.dma_semaphore, #tpu.memory_space<semaphore_mem>>) src(%dma_wait3A_290 : memref<16x128xf32, #tpu.memory_space<hbm>>) dst(%dma_wait3A_287 : memref<16x128xf32, #tpu.memory_space<vmem>>)
        %mul3A_291 = arith.constant 16 : i32
        %mul3A_292 = arith.muli %sub3A_17, %mul3A_291 : i32
        %add3A_293 = arith.constant 0 : i32
        %add3A_294 = arith.addi %mul3A_292, %add3A_293 : i32
        %add3A_295 = arith.constant 0 : i32
        %add3A_296 = arith.addi %mul3A_35, %add3A_295 : i32
        %broadcast_in_dim3A_297 = vector.broadcast %add3A_296 : i32 to vector<16xi32>
        %slice3A = vector.extract_strided_slice %and3A_22 {offsets = [0], sizes = [1], strides = [1]} : vector<16xi32> to vector<1xi32>
        %squeeze3A = vector.extract %slice3A[0] : i32 from vector<1xi32>
        %broadcast_in_dim3A_298 = vector.broadcast %squeeze3A : i32 to vector<16xi32>
        %gather3A = tpu.vector_load_idx %arg13[%broadcast_in_dim3A_297, %iota3A, %broadcast_in_dim3A_298] : memref<48x16x128xf32, #tpu.memory_space<vmem>>[vector<16xi32>, vector<16xi32>, vector<16xi32>], vector<16xf32>,
        %mul3A_299 = arith.constant 32 : i32
        %mul3A_300 = arith.muli %add3A_294, %mul3A_299 : i32
        %swap3A = arith.index_cast %mul3A_300 : i32 to index
        %swap3A_301 = tpu.vector_load %arg21[%swap3A] {strides = array<i32>} : memref<16384xf32, #tpu.memory_space<vmem>>, vector<16xf32>,
        tpu.vector_store %arg21[%swap3A], %gather3A {strides = array<i32>} : memref<16384xf32, #tpu.memory_space<vmem>>, vector<16xf32>,
        %mul3A_302 = arith.constant 16 : i32
        %mul3A_303 = arith.muli %sub3A_17, %mul3A_302 : i32
        %add3A_304 = arith.constant 1 : i32
        %add3A_305 = arith.addi %mul3A_303, %add3A_304 : i32
        %add3A_306 = arith.constant 1 : i32
        %add3A_307 = arith.addi %mul3A_35, %add3A_306 : i32
        %broadcast_in_dim3A_308 = vector.broadcast %add3A_307 : i32 to vector<16xi32>
        %slice3A_309 = vector.extract_strided_slice %and3A_22 {offsets = [1], sizes = [1], strides = [1]} : vector<16xi32> to vector<1xi32>
        %squeeze3A_310 = vector.extract %slice3A_309[0] : i32 from vector<1xi32>
        %broadcast_in_dim3A_311 = vector.broadcast %squeeze3A_310 : i32 to vector<16xi32>
        %gather3A_312 = tpu.vector_load_idx %arg13[%broadcast_in_dim3A_308, %iota3A, %broadcast_in_dim3A_311] : memref<48x16x128xf32, #tpu.memory_space<vmem>>[vector<16xi32>, vector<16xi32>, vector<16xi32>], vector<16xf32>,
        %mul3A_313 = arith.constant 32 : i32
        %mul3A_314 = arith.muli %add3A_305, %mul3A_313 : i32
        %swap3A_315 = arith.index_cast %mul3A_314 : i32 to index
        %swap3A_316 = tpu.vector_load %arg21[%swap3A_315] {strides = array<i32>} : memref<16384xf32, #tpu.memory_space<vmem>>, vector<16xf32>,
        tpu.vector_store %arg21[%swap3A_315], %gather3A_312 {strides = array<i32>} : memref<16384xf32, #tpu.memory_space<vmem>>, vector<16xf32>,
        %mul3A_317 = arith.constant 16 : i32
        %mul3A_318 = arith.muli %sub3A_17, %mul3A_317 : i32
        %add3A_319 = arith.constant 2 : i32
        %add3A_320 = arith.addi %mul3A_318, %add3A_319 : i32
        %add3A_321 = arith.constant 2 : i32
        %add3A_322 = arith.addi %mul3A_35, %add3A_321 : i32
        %broadcast_in_dim3A_323 = vector.broadcast %add3A_322 : i32 to vector<16xi32>
        %slice3A_324 = vector.extract_strided_slice %and3A_22 {offsets = [2], sizes = [1], strides = [1]} : vector<16xi32> to vector<1xi32>
        %squeeze3A_325 = vector.extract %slice3A_324[0] : i32 from vector<1xi32>
        %broadcast_in_dim3A_326 = vector.broadcast %squeeze3A_325 : i32 to vector<16xi32>
        %gather3A_327 = tpu.vector_load_idx %arg13[%broadcast_in_dim3A_323, %iota3A, %broadcast_in_dim3A_326] : memref<48x16x128xf32, #tpu.memory_space<vmem>>[vector<16xi32>, vector<16xi32>, vector<16xi32>], vector<16xf32>,
        %mul3A_328 = arith.constant 32 : i32
        %mul3A_329 = arith.muli %add3A_320, %mul3A_328 : i32
        %swap3A_330 = arith.index_cast %mul3A_329 : i32 to index
        %swap3A_331 = tpu.vector_load %arg21[%swap3A_330] {strides = array<i32>} : memref<16384xf32, #tpu.memory_space<vmem>>, vector<16xf32>,
        tpu.vector_store %arg21[%swap3A_330], %gather3A_327 {strides = array<i32>} : memref<16384xf32, #tpu.memory_space<vmem>>, vector<16xf32>,
        %mul3A_332 = arith.constant 16 : i32
        %mul3A_333 = arith.muli %sub3A_17, %mul3A_332 : i32
        %add3A_334 = arith.constant 3 : i32
        %add3A_335 = arith.addi %mul3A_333, %add3A_334 : i32
        %add3A_336 = arith.constant 3 : i32
        %add3A_337 = arith.addi %mul3A_35, %add3A_336 : i32
        %broadcast_in_dim3A_338 = vector.broadcast %add3A_337 : i32 to vector<16xi32>
        %slice3A_339 = vector.extract_strided_slice %and3A_22 {offsets = [3], sizes = [1], strides = [1]} : vector<16xi32> to vector<1xi32>
        %squeeze3A_340 = vector.extract %slice3A_339[0] : i32 from vector<1xi32>
        %broadcast_in_dim3A_341 = vector.broadcast %squeeze3A_340 : i32 to vector<16xi32>
        %gather3A_342 = tpu.vector_load_idx %arg13[%broadcast_in_dim3A_338, %iota3A, %broadcast_in_dim3A_341] : memref<48x16x128xf32, #tpu.memory_space<vmem>>[vector<16xi32>, vector<16xi32>, vector<16xi32>], vector<16xf32>,
        %mul3A_343 = arith.constant 32 : i32
        %mul3A_344 = arith.muli %add3A_335, %mul3A_343 : i32
        %swap3A_345 = arith.index_cast %mul3A_344 : i32 to index
        %swap3A_346 = tpu.vector_load %arg21[%swap3A_345] {strides = array<i32>} : memref<16384xf32, #tpu.memory_space<vmem>>, vector<16xf32>,
        tpu.vector_store %arg21[%swap3A_345], %gather3A_342 {strides = array<i32>} : memref<16384xf32, #tpu.memory_space<vmem>>, vector<16xf32>,
        %mul3A_347 = arith.constant 16 : i32
        %mul3A_348 = arith.muli %sub3A_17, %mul3A_347 : i32
        %add3A_349 = arith.constant 4 : i32
        %add3A_350 = arith.addi %mul3A_348, %add3A_349 : i32
        %add3A_351 = arith.constant 4 : i32
        %add3A_352 = arith.addi %mul3A_35, %add3A_351 : i32
        %broadcast_in_dim3A_353 = vector.broadcast %add3A_352 : i32 to vector<16xi32>
        %slice3A_354 = vector.extract_strided_slice %and3A_22 {offsets = [4], sizes = [1], strides = [1]} : vector<16xi32> to vector<1xi32>
        %squeeze3A_355 = vector.extract %slice3A_354[0] : i32 from vector<1xi32>
        %broadcast_in_dim3A_356 = vector.broadcast %squeeze3A_355 : i32 to vector<16xi32>
        %gather3A_357 = tpu.vector_load_idx %arg13[%broadcast_in_dim3A_353, %iota3A, %broadcast_in_dim3A_356] : memref<48x16x128xf32, #tpu.memory_space<vmem>>[vector<16xi32>, vector<16xi32>, vector<16xi32>], vector<16xf32>,
        %mul3A_358 = arith.constant 32 : i32
        %mul3A_359 = arith.muli %add3A_350, %mul3A_358 : i32
        %swap3A_360 = arith.index_cast %mul3A_359 : i32 to index
        %swap3A_361 = tpu.vector_load %arg21[%swap3A_360] {strides = array<i32>} : memref<16384xf32, #tpu.memory_space<vmem>>, vector<16xf32>,
        tpu.vector_store %arg21[%swap3A_360], %gather3A_357 {strides = array<i32>} : memref<16384xf32, #tpu.memory_space<vmem>>, vector<16xf32>,
        %mul3A_362 = arith.constant 16 : i32
        %mul3A_363 = arith.muli %sub3A_17, %mul3A_362 : i32
        %add3A_364 = arith.constant 5 : i32
        %add3A_365 = arith.addi %mul3A_363, %add3A_364 : i32
        %add3A_366 = arith.constant 5 : i32
        %add3A_367 = arith.addi %mul3A_35, %add3A_366 : i32
        %broadcast_in_dim3A_368 = vector.broadcast %add3A_367 : i32 to vector<16xi32>
        %slice3A_369 = vector.extract_strided_slice %and3A_22 {offsets = [5], sizes = [1], strides = [1]} : vector<16xi32> to vector<1xi32>
        %squeeze3A_370 = vector.extract %slice3A_369[0] : i32 from vector<1xi32>
        %broadcast_in_dim3A_371 = vector.broadcast %squeeze3A_370 : i32 to vector<16xi32>
        %gather3A_372 = tpu.vector_load_idx %arg13[%broadcast_in_dim3A_368, %iota3A, %broadcast_in_dim3A_371] : memref<48x16x128xf32, #tpu.memory_space<vmem>>[vector<16xi32>, vector<16xi32>, vector<16xi32>], vector<16xf32>,
        %mul3A_373 = arith.constant 32 : i32
        %mul3A_374 = arith.muli %add3A_365, %mul3A_373 : i32
        %swap3A_375 = arith.index_cast %mul3A_374 : i32 to index
        %swap3A_376 = tpu.vector_load %arg21[%swap3A_375] {strides = array<i32>} : memref<16384xf32, #tpu.memory_space<vmem>>, vector<16xf32>,
        tpu.vector_store %arg21[%swap3A_375], %gather3A_372 {strides = array<i32>} : memref<16384xf32, #tpu.memory_space<vmem>>, vector<16xf32>,
        %mul3A_377 = arith.constant 16 : i32
        %mul3A_378 = arith.muli %sub3A_17, %mul3A_377 : i32
        %add3A_379 = arith.constant 6 : i32
        %add3A_380 = arith.addi %mul3A_378, %add3A_379 : i32
        %add3A_381 = arith.constant 6 : i32
        %add3A_382 = arith.addi %mul3A_35, %add3A_381 : i32
        %broadcast_in_dim3A_383 = vector.broadcast %add3A_382 : i32 to vector<16xi32>
        %slice3A_384 = vector.extract_strided_slice %and3A_22 {offsets = [6], sizes = [1], strides = [1]} : vector<16xi32> to vector<1xi32>
        %squeeze3A_385 = vector.extract %slice3A_384[0] : i32 from vector<1xi32>
        %broadcast_in_dim3A_386 = vector.broadcast %squeeze3A_385 : i32 to vector<16xi32>
        %gather3A_387 = tpu.vector_load_idx %arg13[%broadcast_in_dim3A_383, %iota3A, %broadcast_in_dim3A_386] : memref<48x16x128xf32, #tpu.memory_space<vmem>>[vector<16xi32>, vector<16xi32>, vector<16xi32>], vector<16xf32>,
        %mul3A_388 = arith.constant 32 : i32
        %mul3A_389 = arith.muli %add3A_380, %mul3A_388 : i32
        %swap3A_390 = arith.index_cast %mul3A_389 : i32 to index
        %swap3A_391 = tpu.vector_load %arg21[%swap3A_390] {strides = array<i32>} : memref<16384xf32, #tpu.memory_space<vmem>>, vector<16xf32>,
        tpu.vector_store %arg21[%swap3A_390], %gather3A_387 {strides = array<i32>} : memref<16384xf32, #tpu.memory_space<vmem>>, vector<16xf32>,
        %mul3A_392 = arith.constant 16 : i32
        %mul3A_393 = arith.muli %sub3A_17, %mul3A_392 : i32
        %add3A_394 = arith.constant 7 : i32
        %add3A_395 = arith.addi %mul3A_393, %add3A_394 : i32
        %add3A_396 = arith.constant 7 : i32
        %add3A_397 = arith.addi %mul3A_35, %add3A_396 : i32
        %broadcast_in_dim3A_398 = vector.broadcast %add3A_397 : i32 to vector<16xi32>
        %slice3A_399 = vector.extract_strided_slice %and3A_22 {offsets = [7], sizes = [1], strides = [1]} : vector<16xi32> to vector<1xi32>
        %squeeze3A_400 = vector.extract %slice3A_399[0] : i32 from vector<1xi32>
        %broadcast_in_dim3A_401 = vector.broadcast %squeeze3A_400 : i32 to vector<16xi32>
        %gather3A_402 = tpu.vector_load_idx %arg13[%broadcast_in_dim3A_398, %iota3A, %broadcast_in_dim3A_401] : memref<48x16x128xf32, #tpu.memory_space<vmem>>[vector<16xi32>, vector<16xi32>, vector<16xi32>], vector<16xf32>,
        %mul3A_403 = arith.constant 32 : i32
        %mul3A_404 = arith.muli %add3A_395, %mul3A_403 : i32
        %swap3A_405 = arith.index_cast %mul3A_404 : i32 to index
        %swap3A_406 = tpu.vector_load %arg21[%swap3A_405] {strides = array<i32>} : memref<16384xf32, #tpu.memory_space<vmem>>, vector<16xf32>,
        tpu.vector_store %arg21[%swap3A_405], %gather3A_402 {strides = array<i32>} : memref<16384xf32, #tpu.memory_space<vmem>>, vector<16xf32>,
        %mul3A_407 = arith.constant 16 : i32
        %mul3A_408 = arith.muli %sub3A_17, %mul3A_407 : i32
        %add3A_409 = arith.constant 8 : i32
        %add3A_410 = arith.addi %mul3A_408, %add3A_409 : i32
        %add3A_411 = arith.constant 8 : i32
        %add3A_412 = arith.addi %mul3A_35, %add3A_411 : i32
        %broadcast_in_dim3A_413 = vector.broadcast %add3A_412 : i32 to vector<16xi32>
        %slice3A_414 = vector.extract_strided_slice %and3A_22 {offsets = [8], sizes = [1], strides = [1]} : vector<16xi32> to vector<1xi32>
        %squeeze3A_415 = vector.extract %slice3A_414[0] : i32 from vector<1xi32>
        %broadcast_in_dim3A_416 = vector.broadcast %squeeze3A_415 : i32 to vector<16xi32>
        %gather3A_417 = tpu.vector_load_idx %arg13[%broadcast_in_dim3A_413, %iota3A, %broadcast_in_dim3A_416] : memref<48x16x128xf32, #tpu.memory_space<vmem>>[vector<16xi32>, vector<16xi32>, vector<16xi32>], vector<16xf32>,
        %mul3A_418 = arith.constant 32 : i32
        %mul3A_419 = arith.muli %add3A_410, %mul3A_418 : i32
        %swap3A_420 = arith.index_cast %mul3A_419 : i32 to index
        %swap3A_421 = tpu.vector_load %arg21[%swap3A_420] {strides = array<i32>} : memref<16384xf32, #tpu.memory_space<vmem>>, vector<16xf32>,
        tpu.vector_store %arg21[%swap3A_420], %gather3A_417 {strides = array<i32>} : memref<16384xf32, #tpu.memory_space<vmem>>, vector<16xf32>,
        %mul3A_422 = arith.constant 16 : i32
        %mul3A_423 = arith.muli %sub3A_17, %mul3A_422 : i32
        %add3A_424 = arith.constant 9 : i32
        %add3A_425 = arith.addi %mul3A_423, %add3A_424 : i32
        %add3A_426 = arith.constant 9 : i32
        %add3A_427 = arith.addi %mul3A_35, %add3A_426 : i32
        %broadcast_in_dim3A_428 = vector.broadcast %add3A_427 : i32 to vector<16xi32>
        %slice3A_429 = vector.extract_strided_slice %and3A_22 {offsets = [9], sizes = [1], strides = [1]} : vector<16xi32> to vector<1xi32>
        %squeeze3A_430 = vector.extract %slice3A_429[0] : i32 from vector<1xi32>
        %broadcast_in_dim3A_431 = vector.broadcast %squeeze3A_430 : i32 to vector<16xi32>
        %gather3A_432 = tpu.vector_load_idx %arg13[%broadcast_in_dim3A_428, %iota3A, %broadcast_in_dim3A_431] : memref<48x16x128xf32, #tpu.memory_space<vmem>>[vector<16xi32>, vector<16xi32>, vector<16xi32>], vector<16xf32>,
        %mul3A_433 = arith.constant 32 : i32
        %mul3A_434 = arith.muli %add3A_425, %mul3A_433 : i32
        %swap3A_435 = arith.index_cast %mul3A_434 : i32 to index
        %swap3A_436 = tpu.vector_load %arg21[%swap3A_435] {strides = array<i32>} : memref<16384xf32, #tpu.memory_space<vmem>>, vector<16xf32>,
        tpu.vector_store %arg21[%swap3A_435], %gather3A_432 {strides = array<i32>} : memref<16384xf32, #tpu.memory_space<vmem>>, vector<16xf32>,
        %mul3A_437 = arith.constant 16 : i32
        %mul3A_438 = arith.muli %sub3A_17, %mul3A_437 : i32
        %add3A_439 = arith.constant 10 : i32
        %add3A_440 = arith.addi %mul3A_438, %add3A_439 : i32
        %add3A_441 = arith.constant 10 : i32
        %add3A_442 = arith.addi %mul3A_35, %add3A_441 : i32
        %broadcast_in_dim3A_443 = vector.broadcast %add3A_442 : i32 to vector<16xi32>
        %slice3A_444 = vector.extract_strided_slice %and3A_22 {offsets = [10], sizes = [1], strides = [1]} : vector<16xi32> to vector<1xi32>
        %squeeze3A_445 = vector.extract %slice3A_444[0] : i32 from vector<1xi32>
        %broadcast_in_dim3A_446 = vector.broadcast %squeeze3A_445 : i32 to vector<16xi32>
        %gather3A_447 = tpu.vector_load_idx %arg13[%broadcast_in_dim3A_443, %iota3A, %broadcast_in_dim3A_446] : memref<48x16x128xf32, #tpu.memory_space<vmem>>[vector<16xi32>, vector<16xi32>, vector<16xi32>], vector<16xf32>,
        %mul3A_448 = arith.constant 32 : i32
        %mul3A_449 = arith.muli %add3A_440, %mul3A_448 : i32
        %swap3A_450 = arith.index_cast %mul3A_449 : i32 to index
        %swap3A_451 = tpu.vector_load %arg21[%swap3A_450] {strides = array<i32>} : memref<16384xf32, #tpu.memory_space<vmem>>, vector<16xf32>,
        tpu.vector_store %arg21[%swap3A_450], %gather3A_447 {strides = array<i32>} : memref<16384xf32, #tpu.memory_space<vmem>>, vector<16xf32>,
        %mul3A_452 = arith.constant 16 : i32
        %mul3A_453 = arith.muli %sub3A_17, %mul3A_452 : i32
        %add3A_454 = arith.constant 11 : i32
        %add3A_455 = arith.addi %mul3A_453, %add3A_454 : i32
        %add3A_456 = arith.constant 11 : i32
        %add3A_457 = arith.addi %mul3A_35, %add3A_456 : i32
        %broadcast_in_dim3A_458 = vector.broadcast %add3A_457 : i32 to vector<16xi32>
        %slice3A_459 = vector.extract_strided_slice %and3A_22 {offsets = [11], sizes = [1], strides = [1]} : vector<16xi32> to vector<1xi32>
        %squeeze3A_460 = vector.extract %slice3A_459[0] : i32 from vector<1xi32>
        %broadcast_in_dim3A_461 = vector.broadcast %squeeze3A_460 : i32 to vector<16xi32>
        %gather3A_462 = tpu.vector_load_idx %arg13[%broadcast_in_dim3A_458, %iota3A, %broadcast_in_dim3A_461] : memref<48x16x128xf32, #tpu.memory_space<vmem>>[vector<16xi32>, vector<16xi32>, vector<16xi32>], vector<16xf32>,
        %mul3A_463 = arith.constant 32 : i32
        %mul3A_464 = arith.muli %add3A_455, %mul3A_463 : i32
        %swap3A_465 = arith.index_cast %mul3A_464 : i32 to index
        %swap3A_466 = tpu.vector_load %arg21[%swap3A_465] {strides = array<i32>} : memref<16384xf32, #tpu.memory_space<vmem>>, vector<16xf32>,
        tpu.vector_store %arg21[%swap3A_465], %gather3A_462 {strides = array<i32>} : memref<16384xf32, #tpu.memory_space<vmem>>, vector<16xf32>,
        %mul3A_467 = arith.constant 16 : i32
        %mul3A_468 = arith.muli %sub3A_17, %mul3A_467 : i32
        %add3A_469 = arith.constant 12 : i32
        %add3A_470 = arith.addi %mul3A_468, %add3A_469 : i32
        %add3A_471 = arith.constant 12 : i32
        %add3A_472 = arith.addi %mul3A_35, %add3A_471 : i32
        %broadcast_in_dim3A_473 = vector.broadcast %add3A_472 : i32 to vector<16xi32>
        %slice3A_474 = vector.extract_strided_slice %and3A_22 {offsets = [12], sizes = [1], strides = [1]} : vector<16xi32> to vector<1xi32>
        %squeeze3A_475 = vector.extract %slice3A_474[0] : i32 from vector<1xi32>
        %broadcast_in_dim3A_476 = vector.broadcast %squeeze3A_475 : i32 to vector<16xi32>
        %gather3A_477 = tpu.vector_load_idx %arg13[%broadcast_in_dim3A_473, %iota3A, %broadcast_in_dim3A_476] : memref<48x16x128xf32, #tpu.memory_space<vmem>>[vector<16xi32>, vector<16xi32>, vector<16xi32>], vector<16xf32>,
        %mul3A_478 = arith.constant 32 : i32
        %mul3A_479 = arith.muli %add3A_470, %mul3A_478 : i32
        %swap3A_480 = arith.index_cast %mul3A_479 : i32 to index
        %swap3A_481 = tpu.vector_load %arg21[%swap3A_480] {strides = array<i32>} : memref<16384xf32, #tpu.memory_space<vmem>>, vector<16xf32>,
        tpu.vector_store %arg21[%swap3A_480], %gather3A_477 {strides = array<i32>} : memref<16384xf32, #tpu.memory_space<vmem>>, vector<16xf32>,
        %mul3A_482 = arith.constant 16 : i32
        %mul3A_483 = arith.muli %sub3A_17, %mul3A_482 : i32
        %add3A_484 = arith.constant 13 : i32
        %add3A_485 = arith.addi %mul3A_483, %add3A_484 : i32
        %add3A_486 = arith.constant 13 : i32
        %add3A_487 = arith.addi %mul3A_35, %add3A_486 : i32
        %broadcast_in_dim3A_488 = vector.broadcast %add3A_487 : i32 to vector<16xi32>
        %slice3A_489 = vector.extract_strided_slice %and3A_22 {offsets = [13], sizes = [1], strides = [1]} : vector<16xi32> to vector<1xi32>
        %squeeze3A_490 = vector.extract %slice3A_489[0] : i32 from vector<1xi32>
        %broadcast_in_dim3A_491 = vector.broadcast %squeeze3A_490 : i32 to vector<16xi32>
        %gather3A_492 = tpu.vector_load_idx %arg13[%broadcast_in_dim3A_488, %iota3A, %broadcast_in_dim3A_491] : memref<48x16x128xf32, #tpu.memory_space<vmem>>[vector<16xi32>, vector<16xi32>, vector<16xi32>], vector<16xf32>,
        %mul3A_493 = arith.constant 32 : i32
        %mul3A_494 = arith.muli %add3A_485, %mul3A_493 : i32
        %swap3A_495 = arith.index_cast %mul3A_494 : i32 to index
        %swap3A_496 = tpu.vector_load %arg21[%swap3A_495] {strides = array<i32>} : memref<16384xf32, #tpu.memory_space<vmem>>, vector<16xf32>,
        tpu.vector_store %arg21[%swap3A_495], %gather3A_492 {strides = array<i32>} : memref<16384xf32, #tpu.memory_space<vmem>>, vector<16xf32>,
        %mul3A_497 = arith.constant 16 : i32
        %mul3A_498 = arith.muli %sub3A_17, %mul3A_497 : i32
        %add3A_499 = arith.constant 14 : i32
        %add3A_500 = arith.addi %mul3A_498, %add3A_499 : i32
        %add3A_501 = arith.constant 14 : i32
        %add3A_502 = arith.addi %mul3A_35, %add3A_501 : i32
        %broadcast_in_dim3A_503 = vector.broadcast %add3A_502 : i32 to vector<16xi32>
        %slice3A_504 = vector.extract_strided_slice %and3A_22 {offsets = [14], sizes = [1], strides = [1]} : vector<16xi32> to vector<1xi32>
        %squeeze3A_505 = vector.extract %slice3A_504[0] : i32 from vector<1xi32>
        %broadcast_in_dim3A_506 = vector.broadcast %squeeze3A_505 : i32 to vector<16xi32>
        %gather3A_507 = tpu.vector_load_idx %arg13[%broadcast_in_dim3A_503, %iota3A, %broadcast_in_dim3A_506] : memref<48x16x128xf32, #tpu.memory_space<vmem>>[vector<16xi32>, vector<16xi32>, vector<16xi32>], vector<16xf32>,
        %mul3A_508 = arith.constant 32 : i32
        %mul3A_509 = arith.muli %add3A_500, %mul3A_508 : i32
        %swap3A_510 = arith.index_cast %mul3A_509 : i32 to index
        %swap3A_511 = tpu.vector_load %arg21[%swap3A_510] {strides = array<i32>} : memref<16384xf32, #tpu.memory_space<vmem>>, vector<16xf32>,
        tpu.vector_store %arg21[%swap3A_510], %gather3A_507 {strides = array<i32>} : memref<16384xf32, #tpu.memory_space<vmem>>, vector<16xf32>,
        %mul3A_512 = arith.constant 16 : i32
        %mul3A_513 = arith.muli %sub3A_17, %mul3A_512 : i32
        %add3A_514 = arith.constant 15 : i32
        %add3A_515 = arith.addi %mul3A_513, %add3A_514 : i32
        %add3A_516 = arith.constant 15 : i32
        %add3A_517 = arith.addi %mul3A_35, %add3A_516 : i32
        %broadcast_in_dim3A_518 = vector.broadcast %add3A_517 : i32 to vector<16xi32>
        %slice3A_519 = vector.extract_strided_slice %and3A_22 {offsets = [15], sizes = [1], strides = [1]} : vector<16xi32> to vector<1xi32>
        %squeeze3A_520 = vector.extract %slice3A_519[0] : i32 from vector<1xi32>
        %broadcast_in_dim3A_521 = vector.broadcast %squeeze3A_520 : i32 to vector<16xi32>
        %gather3A_522 = tpu.vector_load_idx %arg13[%broadcast_in_dim3A_518, %iota3A, %broadcast_in_dim3A_521] : memref<48x16x128xf32, #tpu.memory_space<vmem>>[vector<16xi32>, vector<16xi32>, vector<16xi32>], vector<16xf32>,
        %mul3A_523 = arith.constant 32 : i32
        %mul3A_524 = arith.muli %add3A_515, %mul3A_523 : i32
        %swap3A_525 = arith.index_cast %mul3A_524 : i32 to index
        %swap3A_526 = tpu.vector_load %arg21[%swap3A_525] {strides = array<i32>} : memref<16384xf32, #tpu.memory_space<vmem>>, vector<16xf32>,
        tpu.vector_store %arg21[%swap3A_525], %gather3A_522 {strides = array<i32>} : memref<16384xf32, #tpu.memory_space<vmem>>, vector<16xf32>,
      } else {
      }
    }
    %scan3A_7 = arith.constant 34 : i32
    %mul3A_8 = arith.constant 32 : i32
    %mul3A_9 = arith.muli %mul3A_2, %mul3A_8 : i32
    "tpu.region"() ({
      %run_scoped3A = tpu.sem_alloc : memref<!tpu.dma_semaphore, #tpu.memory_space<semaphore_mem>>
      %dma_start3A = tpu.memref_slice %arg11[%mul3A_9] : memref<524288xf32, #tpu.memory_space<hbm>> -> memref<16384xf32, #tpu.memory_space<hbm>>
      %dma_start3A_10 = tpu.memref_slice %arg11[%mul3A_9] : memref<524288xf32, #tpu.memory_space<hbm>> -> memref<16384xf32, #tpu.memory_space<hbm>>
      tpu.enqueue_dma source(%arg21 : memref<16384xf32, #tpu.memory_space<vmem>>) target(%dma_start3A_10 : memref<16384xf32, #tpu.memory_space<hbm>>) target_semaphore(%run_scoped3A : memref<!tpu.dma_semaphore, #tpu.memory_space<semaphore_mem>>)
      %dma_wait3A = tpu.memref_slice %arg11[%mul3A_9] : memref<524288xf32, #tpu.memory_space<hbm>> -> memref<16384xf32, #tpu.memory_space<hbm>>
      %dma_wait3A_11 = tpu.memref_slice %arg11[%mul3A_9] : memref<524288xf32, #tpu.memory_space<hbm>> -> memref<16384xf32, #tpu.memory_space<hbm>>
      tpu.wait_dma2 semaphore(%run_scoped3A : memref<!tpu.dma_semaphore, #tpu.memory_space<semaphore_mem>>) src(%arg21 : memref<16384xf32, #tpu.memory_space<vmem>>) dst(%dma_wait3A_11 : memref<16384xf32, #tpu.memory_space<hbm>>)
      tpu.yield
    }) : () -> ()
    return
  }
}

module attributes {stable_mosaic.version = 14 : i64} {
  func.func @_mlp_body(%arg0: i32, %arg1: memref<4096x32xf32, #tpu.memory_space<vmem>>, %arg2: memref<32x128xf32, #tpu.memory_space<vmem>>, %arg3: memref<1x128xf32, #tpu.memory_space<vmem>>, %arg4: memref<128x1xf32, #tpu.memory_space<vmem>>, %arg5: memref<1x1xf32, #tpu.memory_space<vmem>>, %arg6: memref<4096xf32, #tpu.memory_space<vmem>>) attributes {dimension_semantics = [#tpu.dimension_semantics<arbitrary>], iteration_bounds = array<i64: 4>, scalar_prefetch = 0 : i64, scratch_operands = 0 : i64, tpu.core_type = #tpu.core_type<tc>, window_params = [{transform_indices = @transform_0, window_bounds = array<i64: 4096, 32>}, {pipeline_mode = #tpu.pipeline_mode<synchronous>, transform_indices = @transform_1, window_bounds = array<i64: 32, 128>}, {pipeline_mode = #tpu.pipeline_mode<synchronous>, transform_indices = @transform_2, window_bounds = array<i64: 1, 128>}, {pipeline_mode = #tpu.pipeline_mode<synchronous>, transform_indices = @transform_3, window_bounds = array<i64: 128, 1>}, {pipeline_mode = #tpu.pipeline_mode<synchronous>, transform_indices = @transform_4, window_bounds = array<i64: 1, 1>}, {transform_indices = @transform_5, window_bounds = array<i64: 4096>}]} {
    %get3A = arith.constant 0 : index
    %get3A_0 = arith.constant 0 : index
    %get3A_1 = vector.load %arg1[%get3A, %get3A_0] : memref<4096x32xf32, #tpu.memory_space<vmem>>, vector<4096x32xf32>
    %get3A_2 = arith.constant 0 : index
    %get3A_3 = arith.constant 0 : index
    %get3A_4 = vector.load %arg2[%get3A_2, %get3A_3] : memref<32x128xf32, #tpu.memory_space<vmem>>, vector<32x128xf32>
    %dot_general3A = arith.constant dense<0.000000e+00> : vector<4096x128xf32>
    %dot_general3A_5 = tpu.matmul %get3A_1, %get3A_4, %dot_general3A {dimension_numbers = #tpu.dot_dimension_numbers<[1], [0], [0], [1], [0, 0, 1, 1], [], []>, transpose_lhs_hint = false} : vector<4096x32xf32>, vector<32x128xf32>, vector<4096x128xf32> -> vector<4096x128xf32>
    %get3A_6 = arith.constant 0 : index
    %get3A_7 = arith.constant 0 : index
    %get3A_8 = vector.load %arg3[%get3A_6, %get3A_7] : memref<1x128xf32, #tpu.memory_space<vmem>>, vector<1x128xf32>
    %add3A = vector.broadcast %get3A_8 : vector<1x128xf32> to vector<4096x128xf32>
    %add3A_9 = arith.addf %dot_general3A_5, %add3A : vector<4096x128xf32>
    %max3A = arith.constant 0.000000e+00 : f32
    %max3A_10 = vector.broadcast %max3A : f32 to vector<4096x128xf32>
    %max3A_11 = arith.maximumf %add3A_9, %max3A_10 : vector<4096x128xf32>
    %get3A_12 = arith.constant 0 : index
    %get3A_13 = arith.constant 0 : index
    %get3A_14 = vector.load %arg4[%get3A_12, %get3A_13] : memref<128x1xf32, #tpu.memory_space<vmem>>, vector<128x1xf32>
    %dot_general3A_15 = arith.constant dense<0.000000e+00> : vector<4096x1xf32>
    %dot_general3A_16 = tpu.matmul %max3A_11, %get3A_14, %dot_general3A_15 {dimension_numbers = #tpu.dot_dimension_numbers<[1], [0], [0], [1], [0, 0, 1, 1], [], []>, transpose_lhs_hint = false} : vector<4096x128xf32>, vector<128x1xf32>, vector<4096x1xf32> -> vector<4096x1xf32>
    %squeeze3A = vector.shape_cast %dot_general3A_16 : vector<4096x1xf32> to vector<4096xf32>
    %get3A_17 = arith.constant 0 : index
    %get3A_18 = arith.constant 0 : index
    %get3A_19 = vector.load %arg5[%get3A_17, %get3A_18] : memref<1x1xf32, #tpu.memory_space<vmem>>, vector<1x1xf32>
    %get3A_20 = vector.extract %get3A_19[0, 0] : f32 from vector<1x1xf32>
    %add3A_21 = vector.broadcast %get3A_20 : f32 to vector<4096xf32>
    %add3A_22 = arith.addf %squeeze3A, %add3A_21 : vector<4096xf32>
    %swap3A = arith.constant 0 : index
    %swap3A_23 = vector.load %arg6[%swap3A] : memref<4096xf32, #tpu.memory_space<vmem>>, vector<4096xf32>
    tpu.vector_store %arg6[%swap3A], %add3A_22 {strides = array<i32>} : memref<4096xf32, #tpu.memory_space<vmem>>, vector<4096xf32>,
    return
  }
  func.func @transform_0(%arg0: i32) -> (i32, i32) {
    %c0_i32 = arith.constant 0 : i32
    %c0_i32_0 = arith.constant 0 : i32
    return %arg0, %c0_i32 : i32, i32
  }
  func.func @transform_1(%arg0: i32) -> (i32, i32) {
    %c0_i32 = arith.constant 0 : i32
    %c0_i32_0 = arith.constant 0 : i32
    %c0_i32_1 = arith.constant 0 : i32
    return %c0_i32, %c0_i32_0 : i32, i32
  }
  func.func @transform_2(%arg0: i32) -> (i32, i32) {
    %c0_i32 = arith.constant 0 : i32
    %c0_i32_0 = arith.constant 0 : i32
    %c0_i32_1 = arith.constant 0 : i32
    return %c0_i32, %c0_i32_0 : i32, i32
  }
  func.func @transform_3(%arg0: i32) -> (i32, i32) {
    %c0_i32 = arith.constant 0 : i32
    %c0_i32_0 = arith.constant 0 : i32
    %c0_i32_1 = arith.constant 0 : i32
    return %c0_i32, %c0_i32_0 : i32, i32
  }
  func.func @transform_4(%arg0: i32) -> (i32, i32) {
    %c0_i32 = arith.constant 0 : i32
    %c0_i32_0 = arith.constant 0 : i32
    %c0_i32_1 = arith.constant 0 : i32
    return %c0_i32, %c0_i32_0 : i32, i32
  }
  func.func @transform_5(%arg0: i32) -> i32 {
    %c0_i32 = arith.constant 0 : i32
    return %arg0 : i32
  }
}

</mosaic_0001>

<sc_bundles>
// kernel: kernel.4.cloned.1.call-start
scs
__scs_entry_jumppad:
0x0: {  	(pc) =	sbr.rel $0x88, $3  }
0x1: {  	(tag) =	ssettag $0x0;
	lr =	simm.s32 $0x1  }
0x2: {  	[smem:$0x3F94] =	sst lr;
	_ =	strace $0xD0000000  }
0x3: {  	_ = 	snop  }
0x4: {  	_ = 	snop  }
0x5: {  	_ = 	snop  }
0x6: {  	_ = 	snop  }
0x7: {  	_ = 	snop  }
__scs_overlays_trampoline_lowered:
0x8: {  	[smem:$0x3FA3] =	sst s0  }
0x9: {  	[smem:$0x3FA4] =	sst s1  }
0xa: {  	[smem:$0x3FA5] =	sst s2  }
0xb: {  	[smem:$0x3FA6] =	sst s3  }
0xc: {  	[smem:$0x3FA7] =	sst s4  }
0xd: {  	[smem:$0x3FA8] =	sst s5  }
0xe: {  	[smem:$0x3FA9] =	sst s6  }
0xf: {  	[smem:$0x3FAA] =	sst s7  }
0x10: {  	[smem:$0x3FAB] =	sst s8  }
0x11: {  	[smem:$0x3FAC] =	sst s9;
	s0 =	simm.s32 @!p0 $0x0  }
0x12: {  	s1 =	sld [smem:$0x3F92];
	s0 =	simm.s32 @p0 $0x1  }
0x13: {  	[smem:$0x3FAD] =	sst s0;
	s0 =	simm.s32 @!p1 $0x0  }
0x14: {  	s2 =	sld [smem:$0x3F91];
	s0 =	simm.s32 @p1 $0x1  }
0x15: {  	[smem:$0x3FAE] =	sst s0;
	s0 =	simm.s32 @!p2 $0x0  }
0x16: {  	s3 =	sld [smem:$0x3FDB];
	s0 =	simm.s32 @p2 $0x1  }
0x17: {  	s4 =	simm.s32 $0x1BF5;
	[smem:$0x3FB0] =	sst s0  }
0x18: {  	s0 =	sld [smem:$0x3F93];
	_ =	swait.ge [sflag:s4], $0x0  }
0x19: {  	s7 =	sld [smem:$0x3F94]  }
0x1a: {  	s8 =	sadd.s32 $0xFFFFE003, lr  }
0x1b: {  	s9 =	sadd.s32 $0xFFFFFEF7, lr;
	s5 =	simm.s32 $0xFFFFFFFF;
	p2 =	slt.u32 s8, $0xFFFFF086  }
0x1c: {  	p1 =	slt.u32 s9, $0xF7A;
	s5 =	simm.s32 @!p2 $0x0  }
0x1d: {  	s5 =	simm.s32 @p1 $0x1;
	p0 =	seq.s32 s7, s2  }
0x1e: {  	s7 =	smul.u32 @!p0 $0xF7A, s2;
	p2 =	seq.s32 @!p0 s5, $0x0  }
0x1f: {  	s9 =	smul.u32 $0xF7A, s1;
	s8 =	simm.s32 @!p0 $0x1BF5;
	p2 =	por !p2, p0  }
0x20: {  	[sflag:s8] =	ssyncset.s32 @!p0 $0xFFFFF086;
	s6 =	sadd.s32 @!p0 s3, s7;
	s7 =	simm.s32 @!p0 $0x108  }
0x21: {  	s3 =	sadd.s32 s3, s9;
	s6 =	sadd.s32 @!p0 $0x88, s6;
	s7 =	simm.s32 @p2 $0x1082  }
0x22: {  	[simem:s7], [sflag:s8] =	dma.local @!p0 [hbm:s6], $0xF7A  }
0x23: {  	s9 =	sor.u32 $0xD0000000, s2;
	s6 =	simm.s32 $0x108;
	_ =	swait.ge @!p0 [sflag:s8], $0x0  }
0x24: {  	s3 =	sadd.s32 $0x88, s3;
	s6 =	simm.s32 @!p1 $0x1082;
	[sflag:s4] =	ssyncset.s32 $0xFFFFF086  }
0x25: {  	[simem:s6], [sflag:s4] =	dma.local [hbm:s3], $0xF7A  }
0x26: {  	[smem:$0x3F94] =	sst s1;
	(tag) =	ssettag s2;
	_ =	strace s9  }
0x27: {  	s1 =	sld [smem:$0x3FA4]  }
0x28: {  	s2 =	sld [smem:$0x3FA5]  }
0x29: {  	s4 =	sld [smem:$0x3FA7]  }
0x2a: {  	p0 =	seq.s32 s5, $0x0;
	s5 =	sld [smem:$0x3FA8]  }
0x2b: {  	s6 =	sld [smem:$0x3FA9]  }
0x2c: {  	s7 =	sld [smem:$0x3FAA]  }
0x2d: {  	s3 =	simm.s32 $0x108;
	s8 =	sld [smem:$0x3FAB]  }
0x2e: {  	s3 =	simm.s32 @!p0 $0x1082;
	s9 =	sld [smem:$0x3FAC]  }
0x2f: {  	lr =	sadd.s32 s0, s3;
	s0 =	sld [smem:$0x3FA3]  }
0x30: {  	s3 =	sld [smem:$0x3FA6]  }
0x31: {  	[smem:$0x3FAF] =	sst s10  }
0x32: {  	s10 =	sld [smem:$0x3FAD];
	_ =	sdelay $0x3  }
0x33: {  	p0 =	seq.s32 s10, $0x1;
	s10 =	sld [smem:$0x3FAF];
	_ =	sdelay $0x3  }
0x34: {  	[smem:$0x3FAF] =	sst s10  }
0x35: {  	s10 =	sld [smem:$0x3FAE];
	_ =	sdelay $0x3  }
0x36: {  	p1 =	seq.s32 s10, $0x1;
	s10 =	sld [smem:$0x3FAF];
	_ =	sdelay $0x3  }
0x37: {  	[smem:$0x3FAF] =	sst s10  }
0x38: {  	s10 =	sld [smem:$0x3FB0]  }
0x39: {  	_ = 	snop;
	(pc) =	sbr.ind lr, $3  }
0x3a: {  	_ = 	snop  }
0x3b: {  	_ = 	snop  }
0x3c: {  	p2 =	seq.s32 s10, $0x1;
	s10 =	sld [smem:$0x3FAF]  }
0x3d: {  	_ =	shalt  }
0x3e: {  	_ =	shalt  }
0x3f: {  	_ =	shalt  }
0x40: {  	_ =	shalt  }
0x41: {  	_ =	shalt  }
0x42: {  	_ =	shalt  }
0x43: {  	_ =	shalt  }
0x44: {  	_ =	shalt  }
0x45: {  	_ =	shalt  }
0x46: {  	_ =	shalt  }
0x47: {  	_ =	shalt  }
0x48: {  	_ =	shalt  }
0x49: {  	_ =	shalt  }
0x4a: {  	_ =	shalt  }
0x4b: {  	_ =	shalt  }
0x4c: {  	_ =	shalt  }
0x4d: {  	_ =	shalt  }
0x4e: {  	_ =	shalt  }
0x4f: {  	_ =	shalt  }
0x50: {  	_ =	shalt  }
0x51: {  	_ =	shalt  }
0x52: {  	_ =	shalt  }
0x53: {  	_ =	shalt  }
0x54: {  	_ =	shalt  }
0x55: {  	_ =	shalt  }
0x56: {  	_ =	shalt  }
0x57: {  	_ =	shalt  }
0x58: {  	_ =	shalt  }
0x59: {  	_ =	shalt  }
0x5a: {  	_ =	shalt  }
0x5b: {  	_ =	shalt  }
0x5c: {  	_ =	shalt  }
0x5d: {  	_ =	shalt  }
0x5e: {  	_ =	shalt  }
0x5f: {  	_ =	shalt  }
0x60: {  	_ =	shalt  }
0x61: {  	_ =	shalt  }
0x62: {  	_ =	shalt  }
0x63: {  	_ =	shalt  }
0x64: {  	_ =	shalt  }
0x65: {  	_ =	shalt  }
0x66: {  	_ =	shalt  }
0x67: {  	_ =	shalt  }
0x68: {  	_ =	shalt  }
0x69: {  	_ =	shalt  }
0x6a: {  	_ =	shalt  }
0x6b: {  	_ =	shalt  }
0x6c: {  	_ =	shalt  }
0x6d: {  	_ =	shalt  }
0x6e: {  	_ =	shalt  }
0x6f: {  	_ =	shalt  }
0x70: {  	_ =	shalt  }
0x71: {  	_ =	shalt  }
0x72: {  	_ =	shalt  }
0x73: {  	_ =	shalt  }
0x74: {  	_ =	shalt  }
0x75: {  	_ =	shalt  }
0x76: {  	_ =	shalt  }
0x77: {  	_ =	shalt  }
0x78: {  	_ =	shalt  }
0x79: {  	_ =	shalt  }
0x7a: {  	_ =	shalt  }
0x7b: {  	_ =	shalt  }
0x7c: {  	_ =	shalt  }
0x7d: {  	_ =	shalt  }
0x7e: {  	_ =	shalt  }
0x7f: {  	_ =	shalt  }
0x80: {  	_ =	shalt  }
0x81: {  	_ =	shalt  }
0x82: {  	_ =	shalt  }
0x83: {  	_ =	shalt  }
0x84: {  	_ =	shalt  }
0x85: {  	_ =	shalt  }
0x86: {  	_ =	shalt  }
0x87: {  	_ =	shalt  }
.Lfunc_end0:
.L_simem_size_0:
called_computation_lowered:
.L_overlay_start_0:
0x88: {  	s2 =	sld [smem:$0x3FD9]  }
0x89: {  	s3 =	sld [smem:$0x3FFE];
	_ =	sdelay $0x1  }
0x8a: {  	s1 =	srdreg.scid  }
0x8b: {  	s0 =	sand.u32 $0x1, s1  }
0x8c: {  	s17 =	sshll.u32 s0, $0xA;
	s2 =	sadd.s32 s3, s2  }
0x8d: {  	s2 =	sadd.s32 s2, s17  }
0x8e: {  	[smem:$0x3FBB] =	sst s2  }
0x8f: {  	_ = 	snop  }
0x90: {  	s2 =	sld [smem:$0x3FC9]  }
0x91: {  	s18 =	sld [smem:$0x3FC8]  }
0x92: {  	s4 =	sld [smem:$0x3FC7]  }
0x93: {  	s5 =	sld [smem:$0x3FC6]  }
0x94: {  	s6 =	sld [smem:$0x3FC5]  }
0x95: {  	s7 =	sld [smem:$0x3FC4]  }
0x96: {  	s8 =	sld [smem:$0x3FC1]  }
0x97: {  	s9 =	sld [smem:$0x3FD0];
	(tm) =	ssettm $0x1  }
0x98: {  	s10 =	sld [smem:$0x3FFB];
	_ =	sdelay $0x3  }
0x99: {  	_ =	strace s10  }
0x9a: {  	s10 =	sld [smem:$0x3FFC];
	_ =	sdelay $0x3  }
0x9b: {  	_ =	strace s10  }
0x9c: {  	s10 =	sld [smem:$0x3FFD];
	_ =	sdelay $0x3  }
0x9d: {  	_ =	strace s10  }
0x9e: {  	_ =	strace $0x8FFFFFFF  }
0x9f: {  	s19 =	sld [smem:$0x3FDB];
	_ =	sdelay $0x1  }
0xa0: {  	s11 =	simm.s32 $_scs_section_size  }
0xa1: {  	s12 =	simm.s32 $_size__tile_overlayer_lowered;
	s13 =	simm.s32 $_tile_overlayer_lowered  }
0xa2: {  	s22 =	simm.s32 $0x1BFF;
	s21 =	sshll.u32 s13, $0x1;
	s10 =	sadd.s32 s11, s19  }
0xa3: {  	s14 =	simm.s32 $0x0;
	s20 =	sshll.u32 s12, $0x1;
	s12 =	sadd.s32 s21, s10  }
0xa4: {  	[timem:s14], [sflag:s22] =	dma.local [hbm:s12], s20  }
0xa5: {  	_ =	swait.ge [sflag:s22], s20  }
0xa6: {  	s11 =	ssub.s32 $0x0, s20;
	[sflag:s22] =	ssyncset.done $0x0  }
0xa7: {  	[sflag:s22] =	ssyncadd.s32 s11;
	_ =	sdelay $0x1  }
0xa8: {  	s23 =	simm.s32 $0x1B8B  }
0xa9: {  	_ =	swait.ge [sflag:s23], $0x1  }
0xaa: {  	[sflag:s23] =	ssyncset.done $0x0  }
0xab: {  	s25 =	simm.s32 $0x1B8E;
	s24 =	sld [smem:$0x3FFE];
	[sflag:s23] =	ssyncadd.s32 $0xFFFFFFFF  }
0xac: {  	s26 =	simm.s32 $execute0_lowered;
	[smem:$0x3FD2] =	sst s25  }
0xad: {  	s12 =	sshll.u32 s26, $0x1;
	_ =	strace $0x80000046;
	[dreg:$0x1] =	wrdreg $0xFFFFFFFF  }
0xae: {  	s28 =	simm.s32 $_size_execute0_lowered;
	s10 =	sadd.s32 s10, s12;
	[dreg:$0x0] =	wrdreg $0x0  }
0xaf: {  	s12 =	sshll.u32 s28, $0x1;
	[dreg:$0x2] =	wrdreg s10  }
0xb0: {  	[dreg:$0x3] =	wrdreg s12  }
0xb1: {  	[dreg:$0x4] =	wrdreg $0xC0  }
0xb2: {  	_ =	task [dreg:s14], $0x5FFFF  }
0xb3: {  	[dreg:$0x1] =	wrdreg $0xFFFFFFFF  }
0xb4: {  	[dreg:$0x0] =	wrdreg $0x60  }
0xb5: {  	[dreg:$0x2] =	wrdreg s8  }
0xb6: {  	[dreg:$0x3] =	wrdreg s9  }
0xb7: {  	[dreg:$0x4] =	wrdreg s24  }
0xb8: {  	[dreg:$0x5] =	wrdreg s4  }
0xb9: {  	[dreg:$0x6] =	wrdreg s2  }
0xba: {  	[dreg:$0x7] =	wrdreg s18  }
0xbb: {  	[dreg:$0x8] =	wrdreg s5  }
0xbc: {  	[dreg:$0x9] =	wrdreg s6  }
0xbd: {  	[dreg:$0xa] =	wrdreg s7  }
0xbe: {  	[dreg:$0xb] =	wrdreg $0x9  }
0xbf: {  	_ =	task.clear_ibuf [dreg:s14], $0xCFFFF;
	_ =	strace $0x90000046  }
0xc0: {  	s29 =	simm.s32 $0x9;
	_ =	strace $0x80000048  }
0xc1: {  	_ =	swait.ge [sflag:s29], $0x1  }
0xc2: {  	[sflag:s29] =	ssyncadd.s32 $0xFFFFFFFF  }
0xc3: {  	_ =	strace $0x90000048  }
0xc4: {  	_ =	sfence  }
0xc5: {  	s30 =	sld [smem:$0x0];
	_ =	sdelay $0x2  }
0xc6: {  	s31 =	sshll.u32 s1, $0xD;
	s1 =	sshrl.u32 s1, $0x2  }
0xc7: {  	s3 =	sand.u32 $0x4000, s31;
	s1 =	sadd.s32 s1, s30  }
0xc8: {  	s0 =	sor.u32 s3, s0;
	s1 =	sshll.u32 s1, $0x11  }
0xc9: {  	s0 =	sor.u32 s1, s0  }
0xca: {  	s0 =	sadd.s32 $0x8F2B, s0  }
0xcb: {  	[sflag:s0] =	ssyncadd.remote.s32 $0x1  }
0xcc: {  	_ =	sfence.sel $0xFFFF  }
0xcd: {  	[dreg:$0x0] =	wrdreg $0xFFFFFFFF;
	(pc) =	sbr.abs _section_cstart, $3  }
0xce: {  	[dreg:$0x1] =	wrdreg $0xFFFFFFFF  }
0xcf: {  	_ =	task.clear_ibuf [dreg:s14], $0x2FFFF;
	_ =	strace $0x9FFFFFFF  }
0xd0: {  	(tm) =	ssettm $0x7FFFFFFF  }
0xd1: {  	_ =	shalt  }
tec
execute0_lowered:
.L_overlay_start_1:
0x0: {  	(tag) =	ssettag $0x1  }
0x1: {  	s0 =	rddreg [dreg:$0x0]  }
0x2: {  	s1 =	rddreg [dreg:$0x2]  }
0x3: {  	s2 =	rddreg [dreg:$0x3]  }
0x4: {  	s3 =	rddreg [dreg:$0x4]  }
0x5: {  	s8 =	rddreg [dreg:$0x5]  }
0x6: {  	s9 =	rddreg [dreg:$0x6]  }
0x7: {  	s10 =	rddreg [dreg:$0x7]  }
0x8: {  	s11 =	rddreg [dreg:$0x8];
	s4 =	simm.s32 $0x0  }
0x9: {  	s5 =	srdreg.scid;
	s7 =	stileid.u32;
	s17 =	simm.s32 $0x18600  }
0xa: {  	s18 =	simm.s32 $0x18800;
	s19 =	simm.s32 $0x18A00;
	s20 =	simm.s32 $0x18C00  }
0xb: {  	s21 =	simm.s32 $0x1AB80;
	s22 =	simm.s32 $0x1;
	s23 =	simm.s32 $0x200  }
0xc: {  	s24 =	simm.s32 $0x1AC00;
	s25 =	simm.s32 $0x0;
	[smem:$0x7FF] =	sst s4  }
0xd: {  	s6 =	sand.u32 $0x1, s5;
	s30 =	sshll.u32 s7, $0x1;
	s5 =	sadd.s32 $0xE00, s1  }
0xe: {  	_ =	strace $0x80000047;
	s7 =	sor.u32 s6, s30;
	s6 =	ssub.s32 $0x2, s6  }
.Ltmp0:
0xf: {  	s12 =	sshll.u32 s7, $0xB;
	s31 =	sshrl.u32 s6, $0x1;
	(pc) =	sbr.rel .LBB2_1-.Ltmp0, $4  }
0x10: {  	s13 =	sshll.u32 s7, $0x6;
	s1 =	sadd.s32 s12, s1;
	s14 =	ssub.s32 s6, s31  }
0x11: {  	s6 =	sadd.s32 s2, s13;
	s7 =	sadd.s32 s3, s13;
	s8 =	sadd.s32 s8, s13  }
0x12: {  	v0 =	vlaneseq.u32;
	s9 =	sadd.s32 s9, s13;
	s10 =	sadd.s32 s10, s13;
	s11 =	sadd.s32 s11, s13  }
0x13: {  	v0 =	vmul.u32 $0x80, v0;
	s12 =	sadd.s32 $0x1000, s1;
	s13 =	smax.u32 s14, $0x1;
	s14 =	simm.s32 $0x2  }
.LBB2_5:
0x14: {  	s25 =	sadd.s32 $0x1, s25  }
0x15: {  	p0 =	sne.s32 s25, s13  }
.Ltmp1:
0x16: {  	_ = 	snop;
	(pc) =	sbr.rel @!p0 .LBB2_6-.Ltmp1, $4  }
0x17: {  	[hbm4b:s12+s4] =	stream.linear.scatter [tilespmem:s24], [sflag:$0x2], $0x4000, $0x38;
	[tilespmem:$0x1EC00] =	vst v63  }
0x18: {  	_ =	swait.ge [sflag:s14], $0x4000  }
0x19: {  	[sflag:s14] =	ssyncset.done $0x0  }
0x1a: {  	[sflag:s14] =	ssyncadd.s32 $0xFFFFC000  }
.LBB2_1:
0x1b: {  	[tilespmem:s4], [sflag:$0x2] =	stream.linear.gather [hbm4b:s6+s4], $0x200, $0x38;
	[tilespmem:$0x1EC00] =	vst v63  }
0x1c: {  	_ =	swait.ge [sflag:s14], $0x200  }
0x1d: {  	[sflag:s14] =	ssyncset.done $0x0  }
0x1e: {  	s1 =	simm.s32 $0x18200;
	[sflag:s14] =	ssyncadd.s32 $0xFFFFFE00  }
0x1f: {  	[tilespmem:s1], [sflag:$0x2] =	stream.linear.gather [hbm4b:s7+s4], $0x200, $0x38;
	[tilespmem:$0x1EC00] =	vst v63  }
0x20: {  	_ =	swait.ge [sflag:s14], $0x200  }
0x21: {  	[sflag:s14] =	ssyncset.done $0x0  }
0x22: {  	s26 =	simm.s32 $0x18400;
	[sflag:s14] =	ssyncadd.s32 $0xFFFFFE00  }
0x23: {  	[tilespmem:s26], [sflag:$0x2] =	stream.linear.gather [hbm4b:s8+s4], $0x200, $0x38;
	[tilespmem:$0x1EC00] =	vst v63  }
0x24: {  	_ =	swait.ge [sflag:s14], $0x200  }
0x25: {  	[sflag:s14] =	ssyncset.done $0x0  }
0x26: {  	[sflag:s14] =	ssyncadd.s32 $0xFFFFFE00  }
0x27: {  	[tilespmem:s17], [sflag:$0x2] =	stream.linear.gather [hbm4b:s9+s4], $0x200, $0x38;
	[tilespmem:$0x1EC00] =	vst v63  }
0x28: {  	_ =	swait.ge [sflag:s14], $0x200  }
0x29: {  	[sflag:s14] =	ssyncset.done $0x0  }
0x2a: {  	[sflag:s14] =	ssyncadd.s32 $0xFFFFFE00  }
0x2b: {  	[tilespmem:s18], [sflag:$0x2] =	stream.linear.gather [hbm4b:s10+s4], $0x200, $0x38;
	[tilespmem:$0x1EC00] =	vst v63  }
0x2c: {  	_ =	swait.ge [sflag:s14], $0x200  }
0x2d: {  	[sflag:s14] =	ssyncset.done $0x0  }
0x2e: {  	[sflag:s14] =	ssyncadd.s32 $0xFFFFFE00  }
0x2f: {  	[tilespmem:s19], [sflag:$0x2] =	stream.linear.gather [hbm4b:s11+s4], $0x200, $0x38;
	[tilespmem:$0x1EC00] =	vst v63  }
0x30: {  	_ =	swait.ge [sflag:s14], $0x200  }
0x31: {  	[sflag:s14] =	ssyncset.done $0x0  }
0x32: {  	[sflag:s14] =	ssyncadd.s32 $0xFFFFFE00  }
0x33: {  	s31 =	rddreg [dreg:$0x1]  }
0x34: {  	[tilespmem:s20], [sflag:$0x2] =	stream.linear.gather [hbm4b:s31+s4], $0x1F80, $0x38;
	[tilespmem:$0x1EC00] =	vst v63  }
0x35: {  	_ =	swait.ge [sflag:s14], $0x1F80  }
0x36: {  	[sflag:s14] =	ssyncset.done $0x0  }
.Ltmp2:
0x37: {  	[sflag:s14] =	ssyncadd.s32 $0xFFFFE080;
	(pc) =	sbr.rel .LBB2_2-.Ltmp2, $4  }
0x38: {  	[tilespmem:s21], [sflag:$0x2] =	stream.linear.gather [hbm4b:s5+s4], $0x80, $0x38;
	[tilespmem:$0x1EC00] =	vst v63  }
0x39: {  	_ =	swait.ge [sflag:s14], $0x80  }
0x3a: {  	s28 =	simm.s32 $0x0;
	s29 =	simm.s32 $0x0;
	[sflag:s14] =	ssyncset.done $0x0  }
0x3b: {  	s30 =	simm.s32 $0x0;
	s26 =	simm.s32 $0x1A800;
	[sflag:s14] =	ssyncadd.s32 $0xFFFFFF80  }
.LBB2_4:
0x3c: {  	s29 =	sadd.s32 $0x40, s29  }
0x3d: {  	p0 =	sne.s32 s29, $0x880  }
.Ltmp3:
0x3e: {  	_ = 	snop;
	(pc) =	sbr.rel @!p0 .LBB2_5-.Ltmp3, $2  }
0x3f: {  	_ =	sdelay $0x2  }
0x40: {  	s30 =	sadd.s32 $0x1, s30;
	s26 =	sadd.s32 $0x200, s26;
	s28 =	sadd.s32 $0x10, s28  }
.LBB2_2:
0x41: {  	p0 =	sgt.u32 s30, $0x1F  }
0x42: {  	s31 =	sshra.s32 @!p0 s29, $0x2  }
0x43: {  	v1 =	vld @!p0 [tilespmem:s31+$0x0];
	_ =	sdelay $0x4  }
0x44: {  	v1 =	vshrl.u32 @!p0 v1, $0x7  }
0x45: {  	v1 =	vshll.u32 @!p0 v1, $0x7  }
0x46: {  	(v2sf) =	vpush @!p0 v1, $0x0;
	_ =	sdelay $0x3  }
0x47: {  	(v2sf) =	vpush @!p0 v1, $0x1;
	_ =	sdelay $0x2  }
0x48: {  	s1 =	smul.u32 @!p0 $0xAB, s30  }
0x49: {  	(v2sf) =	vpush @!p0 v1, $0x2  }
0x4a: {  	s1 =	sshrl.u32 @!p0 s1, $0x9  }
0x4b: {  	s1 =	sand.u32 @!p0 $0x7F, s1  }
0x4c: {  	s1 =	smul.u32 @!p0 $0x3, s1  }
0x4d: {  	(v2sf) =	vpush @!p0 v1, $0x3  }
0x4e: {  	s1 =	ssub.s32 @!p0 s30, s1  }
0x4f: {  	s1 =	sand.u32 @!p0 $0xFF, s1  }
0x50: {  	s2 =	sshll.u32 @!p0 s1, $0xF;
	s1 =	spop @!p0 (v2sf)  }
0x51: {  	s3 =	simm.s32 @!p0 $0x400;
	(v2sf) =	vpush @!p0 v1, $0x4;
	s1 =	sand.u32 @!p0 $0x1FFFFF80, s1  }
0x52: {  	s15 =	sor.u32 @!p0 $0x200, s2;
	s16 =	sadd.s32 @!p0 s0, s1;
	s1 =	simm.s32 @!p0 $0x7A1400  }
0x53: {  	[tilespmem:s15], [sflag:$0x1] =	stream.strided.gather @!p0 [hbm4b:s16+s3], $0x800, s1, s3, $0x38;
	[tilespmem:$0x1EC00] =	vst v63  }
0x54: {  	s15 =	spop @!p0 (v2sf)  }
0x55: {  	(v2sf) =	vpush @!p0 v1, $0x5;
	s15 =	sand.u32 @!p0 $0x1FFFFF80, s15  }
0x56: {  	s16 =	sor.u32 @!p0 $0xA00, s2;
	s15 =	sadd.s32 @!p0 s0, s15  }
0x57: {  	[tilespmem:s16], [sflag:$0x1] =	stream.strided.gather @!p0 [hbm4b:s15+s3], $0x800, s1, s3, $0x38;
	[tilespmem:$0x1EC00] =	vst v63  }
0x58: {  	s15 =	spop @!p0 (v2sf)  }
0x59: {  	(v2sf) =	vpush @!p0 v1, $0x6;
	s15 =	sand.u32 @!p0 $0x1FFFFF80, s15  }
0x5a: {  	s16 =	sor.u32 @!p0 $0x1200, s2;
	s15 =	sadd.s32 @!p0 s0, s15  }
0x5b: {  	[tilespmem:s16], [sflag:$0x1] =	stream.strided.gather @!p0 [hbm4b:s15+s3], $0x800, s1, s3, $0x38;
	[tilespmem:$0x1EC00] =	vst v63  }
0x5c: {  	s15 =	spop @!p0 (v2sf)  }
0x5d: {  	(v2sf) =	vpush @!p0 v1, $0x7;
	s15 =	sand.u32 @!p0 $0x1FFFFF80, s15  }
0x5e: {  	s16 =	sor.u32 @!p0 $0x1A00, s2;
	s15 =	sadd.s32 @!p0 s0, s15  }
0x5f: {  	[tilespmem:s16], [sflag:$0x1] =	stream.strided.gather @!p0 [hbm4b:s15+s3], $0x800, s1, s3, $0x38;
	[tilespmem:$0x1EC00] =	vst v63  }
0x60: {  	s15 =	spop @!p0 (v2sf)  }
0x61: {  	(v2sf) =	vpush @!p0 v1, $0x8;
	s15 =	sand.u32 @!p0 $0x1FFFFF80, s15  }
0x62: {  	s16 =	sor.u32 @!p0 $0x2200, s2;
	s15 =	sadd.s32 @!p0 s0, s15  }
0x63: {  	[tilespmem:s16], [sflag:$0x1] =	stream.strided.gather @!p0 [hbm4b:s15+s3], $0x800, s1, s3, $0x38;
	[tilespmem:$0x1EC00] =	vst v63  }
0x64: {  	s15 =	spop @!p0 (v2sf)  }
0x65: {  	(v2sf) =	vpush @!p0 v1, $0x9;
	s15 =	sand.u32 @!p0 $0x1FFFFF80, s15  }
0x66: {  	s16 =	sor.u32 @!p0 $0x2A00, s2;
	s15 =	sadd.s32 @!p0 s0, s15  }
0x67: {  	[tilespmem:s16], [sflag:$0x1] =	stream.strided.gather @!p0 [hbm4b:s15+s3], $0x800, s1, s3, $0x38;
	[tilespmem:$0x1EC00] =	vst v63  }
0x68: {  	s15 =	spop @!p0 (v2sf)  }
0x69: {  	(v2sf) =	vpush @!p0 v1, $0xA;
	s15 =	sand.u32 @!p0 $0x1FFFFF80, s15  }
0x6a: {  	s16 =	sor.u32 @!p0 $0x3200, s2;
	s15 =	sadd.s32 @!p0 s0, s15  }
0x6b: {  	[tilespmem:s16], [sflag:$0x1] =	stream.strided.gather @!p0 [hbm4b:s15+s3], $0x800, s1, s3, $0x38;
	[tilespmem:$0x1EC00] =	vst v63  }
0x6c: {  	s15 =	spop @!p0 (v2sf)  }
0x6d: {  	(v2sf) =	vpush @!p0 v1, $0xB;
	s15 =	sand.u32 @!p0 $0x1FFFFF80, s15  }
0x6e: {  	s16 =	sor.u32 @!p0 $0x3A00, s2;
	s15 =	sadd.s32 @!p0 s0, s15  }
0x6f: {  	[tilespmem:s16], [sflag:$0x1] =	stream.strided.gather @!p0 [hbm4b:s15+s3], $0x800, s1, s3, $0x38;
	[tilespmem:$0x1EC00] =	vst v63  }
0x70: {  	s15 =	spop @!p0 (v2sf)  }
0x71: {  	(v2sf) =	vpush @!p0 v1, $0xC;
	s15 =	sand.u32 @!p0 $0x1FFFFF80, s15  }
0x72: {  	s16 =	sor.u32 @!p0 $0x4200, s2;
	s15 =	sadd.s32 @!p0 s0, s15  }
0x73: {  	[tilespmem:s16], [sflag:$0x1] =	stream.strided.gather @!p0 [hbm4b:s15+s3], $0x800, s1, s3, $0x38;
	[tilespmem:$0x1EC00] =	vst v63  }
0x74: {  	s15 =	spop @!p0 (v2sf)  }
0x75: {  	(v2sf) =	vpush @!p0 v1, $0xD;
	s15 =	sand.u32 @!p0 $0x1FFFFF80, s15  }
0x76: {  	s16 =	sor.u32 @!p0 $0x4A00, s2;
	s15 =	sadd.s32 @!p0 s0, s15  }
0x77: {  	[tilespmem:s16], [sflag:$0x1] =	stream.strided.gather @!p0 [hbm4b:s15+s3], $0x800, s1, s3, $0x38;
	[tilespmem:$0x1EC00] =	vst v63  }
0x78: {  	s15 =	spop @!p0 (v2sf)  }
0x79: {  	(v2sf) =	vpush @!p0 v1, $0xE;
	s15 =	sand.u32 @!p0 $0x1FFFFF80, s15  }
0x7a: {  	s16 =	sor.u32 @!p0 $0x5200, s2;
	s15 =	sadd.s32 @!p0 s0, s15  }
0x7b: {  	[tilespmem:s16], [sflag:$0x1] =	stream.strided.gather @!p0 [hbm4b:s15+s3], $0x800, s1, s3, $0x38;
	[tilespmem:$0x1EC00] =	vst v63  }
0x7c: {  	s15 =	spop @!p0 (v2sf)  }
0x7d: {  	(v2sf) =	vpush @!p0 v1, $0xF;
	s15 =	sand.u32 @!p0 $0x1FFFFF80, s15  }
0x7e: {  	s16 =	sor.u32 @!p0 $0x5A00, s2;
	s15 =	sadd.s32 @!p0 s0, s15  }
0x7f: {  	[tilespmem:s16], [sflag:$0x1] =	stream.strided.gather @!p0 [hbm4b:s15+s3], $0x800, s1, s3, $0x38;
	[tilespmem:$0x1EC00] =	vst v63  }
0x80: {  	s15 =	spop @!p0 (v2sf)  }
0x81: {  	s15 =	sand.u32 @!p0 $0x1FFFFF80, s15  }
0x82: {  	s16 =	sor.u32 @!p0 $0x6200, s2;
	s15 =	sadd.s32 @!p0 s0, s15  }
0x83: {  	[tilespmem:s16], [sflag:$0x1] =	stream.strided.gather @!p0 [hbm4b:s15+s3], $0x800, s1, s3, $0x38;
	[tilespmem:$0x1EC00] =	vst v63  }
0x84: {  	s15 =	spop @!p0 (v2sf)  }
0x85: {  	s15 =	sand.u32 @!p0 $0x1FFFFF80, s15  }
0x86: {  	s16 =	sor.u32 @!p0 $0x6A00, s2;
	s15 =	sadd.s32 @!p0 s0, s15  }
0x87: {  	[tilespmem:s16], [sflag:$0x1] =	stream.strided.gather @!p0 [hbm4b:s15+s3], $0x800, s1, s3, $0x38;
	[tilespmem:$0x1EC00] =	vst v63  }
0x88: {  	s15 =	spop @!p0 (v2sf)  }
0x89: {  	s15 =	sand.u32 @!p0 $0x1FFFFF80, s15  }
0x8a: {  	s16 =	sor.u32 @!p0 $0x7200, s2;
	s15 =	sadd.s32 @!p0 s0, s15  }
0x8b: {  	[tilespmem:s16], [sflag:$0x1] =	stream.strided.gather @!p0 [hbm4b:s15+s3], $0x800, s1, s3, $0x38;
	[tilespmem:$0x1EC00] =	vst v63  }
0x8c: {  	s15 =	spop @!p0 (v2sf)  }
0x8d: {  	s15 =	sand.u32 @!p0 $0x1FFFFF80, s15  }
0x8e: {  	s2 =	sor.u32 @!p0 $0x7A00, s2;
	s15 =	sadd.s32 @!p0 s0, s15  }
0x8f: {  	[tilespmem:s2], [sflag:$0x1] =	stream.strided.gather @!p0 [hbm4b:s15+s3], $0x800, s1, s3, $0x38;
	[tilespmem:$0x1EC00] =	vst v63  }
0x90: {  	v1 =	vld @!p0 [tilespmem:s31+$0x18200];
	_ =	sdelay $0x4  }
0x91: {  	v1 =	vshll.u32 @!p0 v1, $0x3  }
0x92: {  	v2 =	vlaneseq.u32 @!p0  }
0x93: {  	v3 =	vmov @!p0 s28;
	v2 =	vmul.u32 @!p0 $0x20, v2  }
0x94: {  	v3 =	vshll.u32 @!p0 v3, $0x5  }
0x95: {  	v2 =	vor.u32 @!p0 v2, v3;
	s1 =	simm.s32 @!p0 $0x18C00  }
0x96: {  	v4 =	vor.u32 @!p0 $0x10, v2;
	v3 =	vld.idx.msk @!p0 [tilespmem:v1+s1+$0x0], $0xffff  }
0x97: {  	v5 =	vor.u32 @!p0 $0x1, v1;
	_ =	sdelay $0x2  }
0x98: {  	s2 =	simm.s32 @!p0 $0x1AC00  }
0x99: {  	[tilespmem:v4+s2+$0x0] =	vst.idx.msk @!p0 $0xffff, v3  }
0x9a: {  	v4 =	vor.u32 @!p0 $0x11, v2;
	v3 =	vld.idx.msk @!p0 [tilespmem:v5+s1+$0x0], $0xffff  }
0x9b: {  	v5 =	vor.u32 @!p0 $0x2, v1;
	_ =	sdelay $0x3  }
0x9c: {  	[tilespmem:v4+s2+$0x0] =	vst.idx.msk @!p0 $0xffff, v3  }
0x9d: {  	v4 =	vor.u32 @!p0 $0x12, v2;
	v3 =	vld.idx.msk @!p0 [tilespmem:v5+s1+$0x0], $0xffff  }
0x9e: {  	v5 =	vor.u32 @!p0 $0x3, v1;
	_ =	sdelay $0x3  }
0x9f: {  	[tilespmem:v4+s2+$0x0] =	vst.idx.msk @!p0 $0xffff, v3  }
0xa0: {  	v4 =	vor.u32 @!p0 $0x13, v2;
	v3 =	vld.idx.msk @!p0 [tilespmem:v5+s1+$0x0], $0xffff  }
0xa1: {  	v5 =	vor.u32 @!p0 $0x4, v1;
	_ =	sdelay $0x3  }
0xa2: {  	[tilespmem:v4+s2+$0x0] =	vst.idx.msk @!p0 $0xffff, v3  }
0xa3: {  	v4 =	vor.u32 @!p0 $0x14, v2;
	v3 =	vld.idx.msk @!p0 [tilespmem:v5+s1+$0x0], $0xffff  }
0xa4: {  	v5 =	vor.u32 @!p0 $0x5, v1;
	_ =	sdelay $0x3  }
0xa5: {  	[tilespmem:v4+s2+$0x0] =	vst.idx.msk @!p0 $0xffff, v3  }
0xa6: {  	v4 =	vor.u32 @!p0 $0x15, v2;
	v3 =	vld.idx.msk @!p0 [tilespmem:v5+s1+$0x0], $0xffff  }
0xa7: {  	v5 =	vor.u32 @!p0 $0x6, v1;
	_ =	sdelay $0x3  }
0xa8: {  	[tilespmem:v4+s2+$0x0] =	vst.idx.msk @!p0 $0xffff, v3  }
0xa9: {  	v4 =	vor.u32 @!p0 $0x16, v2;
	v3 =	vld.idx.msk @!p0 [tilespmem:v5+s1+$0x0], $0xffff  }
0xaa: {  	v1 =	vor.u32 @!p0 $0x7, v1;
	_ =	sdelay $0x3  }
0xab: {  	[tilespmem:v4+s2+$0x0] =	vst.idx.msk @!p0 $0xffff, v3  }
0xac: {  	v3 =	vor.u32 @!p0 $0x17, v2;
	v1 =	vld.idx.msk @!p0 [tilespmem:v1+s1+$0x0], $0xffff;
	_ =	sdelay $0x4  }
0xad: {  	[tilespmem:v3+s2+$0x0] =	vst.idx.msk @!p0 $0xffff, v1  }
0xae: {  	v1 =	vld @!p0 [tilespmem:s31+$0x18400];
	_ =	sdelay $0x4  }
0xaf: {  	v1 =	vshll.u32 @!p0 v1, $0x2;
	_ =	sdelay $0x3  }
0xb0: {  	s1 =	simm.s32 @!p0 $0x1AB80  }
0xb1: {  	v4 =	vor.u32 @!p0 $0x18, v2;
	v3 =	vld.idx.msk @!p0 [tilespmem:v1+s1+$0x0], $0xffff  }
0xb2: {  	v5 =	vor.u32 @!p0 $0x1, v1;
	_ =	sdelay $0x3  }
0xb3: {  	[tilespmem:v4+s2+$0x0] =	vst.idx.msk @!p0 $0xffff, v3  }
0xb4: {  	v4 =	vor.u32 @!p0 $0x19, v2;
	v3 =	vld.idx.msk @!p0 [tilespmem:v5+s1+$0x0], $0xffff  }
0xb5: {  	v5 =	vor.u32 @!p0 $0x2, v1;
	_ =	sdelay $0x3  }
0xb6: {  	[tilespmem:v4+s2+$0x0] =	vst.idx.msk @!p0 $0xffff, v3  }
0xb7: {  	v4 =	vor.u32 @!p0 $0x1A, v2;
	v3 =	vld.idx.msk @!p0 [tilespmem:v5+s1+$0x0], $0xffff  }
0xb8: {  	v1 =	vor.u32 @!p0 $0x3, v1;
	_ =	sdelay $0x3  }
0xb9: {  	[tilespmem:v4+s2+$0x0] =	vst.idx.msk @!p0 $0xffff, v3  }
0xba: {  	v3 =	vor.u32 @!p0 $0x1B, v2;
	v1 =	vld.idx.msk @!p0 [tilespmem:v1+s1+$0x0], $0xffff;
	_ =	sdelay $0x4  }
0xbb: {  	[tilespmem:v3+s2+$0x0] =	vst.idx.msk @!p0 $0xffff, v1  }
0xbc: {  	v3 =	vor.u32 @!p0 $0x1C, v2;
	v1 =	vld @!p0 [tilespmem:s31+$0x18600];
	_ =	sdelay $0x4  }
0xbd: {  	[tilespmem:v3+s2+$0x0] =	vst.idx.msk @!p0 $0xffff, v1  }
0xbe: {  	v3 =	vor.u32 @!p0 $0x1D, v2;
	v1 =	vld @!p0 [tilespmem:s31+$0x18800];
	_ =	sdelay $0x4  }
0xbf: {  	[tilespmem:v3+s2+$0x0] =	vst.idx.msk @!p0 $0xffff, v1  }
0xc0: {  	p1 =	slt.u32 @!p0 s30, $0x2;
	v3 =	vor.u32 @!p0 $0x1E, v2;
	v1 =	vld @!p0 [tilespmem:s31+$0x18A00]  }
0xc1: {  	p1 =	por p0, !p1;
	v2 =	vor.u32 @!p0 $0x1F, v2  }
.Ltmp4:
0xc2: {  	_ = 	snop;
	(pc) =	sbr.rel @!p1 .LBB2_4-.Ltmp4, $3  }
0xc3: {  	_ =	sdelay $0x1  }
0xc4: {  	[tilespmem:v3+s2+$0x0] =	vst.idx.msk @!p0 $0xffff, v1;
	v1 =	vimm.f32 @!p0 $0.0e+00  }
0xc5: {  	[tilespmem:v2+s2+$0x0] =	vst.idx.msk @!p0 $0xffff, v1  }
0xc6: {  	s1 =	sshra.s32 s29, $0x2  }
0xc7: {  	v1 =	vld [tilespmem:s1+$0xFFFFFFE0];
	_ =	swait.ge [sflag:s22], $0x800  }
0xc8: {  	[sflag:s22] =	ssyncset.done $0x0  }
0xc9: {  	[sflag:s22] =	ssyncadd.s32 $0xFFFFF800  }
0xca: {  	_ =	swait.ge [sflag:s22], $0x800  }
0xcb: {  	[sflag:s22] =	ssyncset.done $0x0  }
0xcc: {  	[sflag:s22] =	ssyncadd.s32 $0xFFFFF800  }
0xcd: {  	_ =	swait.ge [sflag:s22], $0x800  }
0xce: {  	[sflag:s22] =	ssyncset.done $0x0  }
0xcf: {  	[sflag:s22] =	ssyncadd.s32 $0xFFFFF800  }
0xd0: {  	_ =	swait.ge [sflag:s22], $0x800  }
0xd1: {  	[sflag:s22] =	ssyncset.done $0x0  }
0xd2: {  	[sflag:s22] =	ssyncadd.s32 $0xFFFFF800  }
0xd3: {  	_ =	swait.ge [sflag:s22], $0x800  }
0xd4: {  	[sflag:s22] =	ssyncset.done $0x0  }
0xd5: {  	[sflag:s22] =	ssyncadd.s32 $0xFFFFF800  }
0xd6: {  	_ =	swait.ge [sflag:s22], $0x800  }
0xd7: {  	[sflag:s22] =	ssyncset.done $0x0  }
0xd8: {  	[sflag:s22] =	ssyncadd.s32 $0xFFFFF800  }
0xd9: {  	_ =	swait.ge [sflag:s22], $0x800  }
0xda: {  	[sflag:s22] =	ssyncset.done $0x0  }
0xdb: {  	[sflag:s22] =	ssyncadd.s32 $0xFFFFF800  }
0xdc: {  	_ =	swait.ge [sflag:s22], $0x800  }
0xdd: {  	[sflag:s22] =	ssyncset.done $0x0  }
0xde: {  	[sflag:s22] =	ssyncadd.s32 $0xFFFFF800  }
0xdf: {  	_ =	swait.ge [sflag:s22], $0x800  }
0xe0: {  	[sflag:s22] =	ssyncset.done $0x0  }
0xe1: {  	[sflag:s22] =	ssyncadd.s32 $0xFFFFF800  }
0xe2: {  	_ =	swait.ge [sflag:s22], $0x800  }
0xe3: {  	[sflag:s22] =	ssyncset.done $0x0  }
0xe4: {  	[sflag:s22] =	ssyncadd.s32 $0xFFFFF800  }
0xe5: {  	s15 =	sadd.s32 $0xFFFFFFFE, s30;
	_ =	swait.ge [sflag:s22], $0x800  }
0xe6: {  	s2 =	sand.u32 $0xFF, s15;
	[sflag:s22] =	ssyncset.done $0x0  }
0xe7: {  	s2 =	smul.u32 $0xAB, s2;
	[sflag:s22] =	ssyncadd.s32 $0xFFFFF800  }
0xe8: {  	_ =	swait.ge [sflag:s22], $0x800  }
0xe9: {  	s2 =	sshrl.u32 s2, $0x9;
	[sflag:s22] =	ssyncset.done $0x0  }
0xea: {  	s2 =	smul.u32 $0x3, s2;
	[sflag:s22] =	ssyncadd.s32 $0xFFFFF800  }
0xeb: {  	_ =	swait.ge [sflag:s22], $0x800  }
0xec: {  	s1 =	ssub.s32 s15, s2;
	[sflag:s22] =	ssyncset.done $0x0  }
0xed: {  	s1 =	sshll.u32 s1, $0xF;
	[sflag:s22] =	ssyncadd.s32 $0xFFFFF800  }
0xee: {  	v1 =	vand.u32 $0x7F, v1;
	s31 =	sand.u32 $0x78000, s1;
	_ =	swait.ge [sflag:s22], $0x800  }
0xef: {  	v2 =	vor.u32 s31, v1;
	[sflag:s22] =	ssyncset.done $0x0  }
0xf0: {  	v2 =	vbroadcast v2, $0x0;
	[sflag:s22] =	ssyncadd.s32 $0xFFFFF800  }
0xf1: {  	_ =	swait.ge [sflag:s22], $0x800  }
0xf2: {  	v2 =	vor.u32 v0, v2;
	[sflag:s22] =	ssyncset.done $0x0  }
0xf3: {  	[sflag:s22] =	ssyncadd.s32 $0xFFFFF800  }
0xf4: {  	_ =	swait.ge [sflag:s22], $0x800  }
0xf5: {  	v3 =	vbroadcast v1, $0x1;
	[sflag:s22] =	ssyncset.done $0x0  }
0xf6: {  	s1 =	sor.u32 $0x800, s31;
	[sflag:s22] =	ssyncadd.s32 $0xFFFFF800  }
0xf7: {  	v3 =	vor.u32 s1, v3;
	v2 =	vld.idx.msk [tilespmem:v2+s23+$0x0], $0xffff  }
0xf8: {  	v3 =	vor.u32 v0, v3;
	_ =	sdelay $0x2  }
0xf9: {  	v4 =	vbroadcast v1, $0x2  }
0xfa: {  	s16 =	sor.u32 $0x1000, s31;
	[tilespmem:s26+$0x0] =	vst v2  }
0xfb: {  	v2 =	vld.idx.msk [tilespmem:v3+s23+$0x0], $0xffff;
	v3 =	vor.u32 s16, v4  }
0xfc: {  	v3 =	vor.u32 v0, v3;
	_ =	sdelay $0x2  }
0xfd: {  	v52 =	vbroadcast v1, $0x3  }
0xfe: {  	s2 =	sor.u32 $0x1800, s31;
	[tilespmem:s26+$0x20] =	vst v2  }
0xff: {  	v2 =	vld.idx.msk [tilespmem:v3+s23+$0x0], $0xffff;
	v3 =	vor.u32 s2, v52  }
0x100: {  	v3 =	vor.u32 v0, v3;
	_ =	sdelay $0x2  }
0x101: {  	v53 =	vbroadcast v1, $0x4  }
0x102: {  	s3 =	sor.u32 $0x2000, s31;
	[tilespmem:s26+$0x40] =	vst v2  }
0x103: {  	v2 =	vld.idx.msk [tilespmem:v3+s23+$0x0], $0xffff;
	v3 =	vor.u32 s3, v53  }
0x104: {  	v3 =	vor.u32 v0, v3;
	_ =	sdelay $0x2  }
0x105: {  	v54 =	vbroadcast v1, $0x5  }
0x106: {  	s15 =	sor.u32 $0x2800, s31;
	[tilespmem:s26+$0x60] =	vst v2  }
0x107: {  	v2 =	vld.idx.msk [tilespmem:v3+s23+$0x0], $0xffff;
	v3 =	vor.u32 s15, v54  }
0x108: {  	v3 =	vor.u32 v0, v3;
	_ =	sdelay $0x2  }
0x109: {  	v55 =	vbroadcast v1, $0x6  }
0x10a: {  	s16 =	sor.u32 $0x3000, s31;
	[tilespmem:s26+$0x80] =	vst v2  }
0x10b: {  	v2 =	vld.idx.msk [tilespmem:v3+s23+$0x0], $0xffff;
	v3 =	vor.u32 s16, v55  }
0x10c: {  	v3 =	vor.u32 v0, v3;
	_ =	sdelay $0x2  }
0x10d: {  	v56 =	vbroadcast v1, $0x7  }
0x10e: {  	s2 =	sor.u32 $0x3800, s31;
	[tilespmem:s26+$0xA0] =	vst v2  }
0x10f: {  	v2 =	vld.idx.msk [tilespmem:v3+s23+$0x0], $0xffff;
	v3 =	vor.u32 s2, v56  }
0x110: {  	v3 =	vor.u32 v0, v3;
	_ =	sdelay $0x2  }
0x111: {  	v57 =	vbroadcast v1, $0x8  }
0x112: {  	s3 =	sor.u32 $0x4000, s31;
	[tilespmem:s26+$0xC0] =	vst v2  }
0x113: {  	v2 =	vld.idx.msk [tilespmem:v3+s23+$0x0], $0xffff;
	v3 =	vor.u32 s3, v57  }
0x114: {  	v3 =	vor.u32 v0, v3;
	_ =	sdelay $0x2  }
0x115: {  	v58 =	vbroadcast v1, $0x9  }
0x116: {  	s15 =	sor.u32 $0x4800, s31;
	[tilespmem:s26+$0xE0] =	vst v2  }
0x117: {  	v2 =	vld.idx.msk [tilespmem:v3+s23+$0x0], $0xffff;
	v3 =	vor.u32 s15, v58  }
0x118: {  	v3 =	vor.u32 v0, v3;
	_ =	sdelay $0x2  }
0x119: {  	v59 =	vbroadcast v1, $0xA  }
0x11a: {  	s16 =	sor.u32 $0x5000, s31;
	[tilespmem:s26+$0x100] =	vst v2  }
0x11b: {  	v2 =	vld.idx.msk [tilespmem:v3+s23+$0x0], $0xffff;
	v3 =	vor.u32 s16, v59  }
0x11c: {  	v3 =	vor.u32 v0, v3;
	_ =	sdelay $0x2  }
0x11d: {  	v60 =	vbroadcast v1, $0xB  }
0x11e: {  	s2 =	sor.u32 $0x5800, s31;
	[tilespmem:s26+$0x120] =	vst v2  }
0x11f: {  	v2 =	vld.idx.msk [tilespmem:v3+s23+$0x0], $0xffff;
	v3 =	vor.u32 s2, v60  }
0x120: {  	v3 =	vor.u32 v0, v3;
	_ =	sdelay $0x2  }
0x121: {  	v61 =	vbroadcast v1, $0xC  }
0x122: {  	s3 =	sor.u32 $0x6000, s31;
	[tilespmem:s26+$0x140] =	vst v2  }
0x123: {  	v2 =	vld.idx.msk [tilespmem:v3+s23+$0x0], $0xffff;
	v3 =	vor.u32 s3, v61  }
0x124: {  	v3 =	vor.u32 v0, v3;
	_ =	sdelay $0x2  }
0x125: {  	v62 =	vbroadcast v1, $0xD  }
0x126: {  	s15 =	sor.u32 $0x6800, s31;
	[tilespmem:s26+$0x160] =	vst v2  }
0x127: {  	v2 =	vld.idx.msk [tilespmem:v3+s23+$0x0], $0xffff;
	v3 =	vor.u32 s15, v62  }
0x128: {  	v3 =	vor.u32 v0, v3;
	_ =	sdelay $0x2  }
0x129: {  	v63 =	vbroadcast v1, $0xE  }
0x12a: {  	s16 =	sor.u32 $0x7000, s31;
	[tilespmem:s26+$0x180] =	vst v2  }
0x12b: {  	v2 =	vld.idx.msk [tilespmem:v3+s23+$0x0], $0xffff;
	v3 =	vor.u32 s16, v63  }
0x12c: {  	v3 =	vor.u32 v0, v3;
	_ =	sdelay $0x2  }
0x12d: {  	v1 =	vbroadcast v1, $0xF  }
0x12e: {  	s31 =	sor.u32 $0x7800, s31;
	[tilespmem:s26+$0x1A0] =	vst v2  }
0x12f: {  	v1 =	vor.u32 s31, v1;
	v2 =	vld.idx.msk [tilespmem:v3+s23+$0x0], $0xffff  }
0x130: {  	v1 =	vor.u32 v0, v1;
	_ =	sdelay $0x3  }
0x131: {  	[tilespmem:s26+$0x1C0] =	vst v2  }
0x132: {  	v1 =	vld.idx.msk [tilespmem:v1+s23+$0x0], $0xffff  }
.Ltmp5:
0x133: {  	_ = 	snop;
	(pc) =	sbr.rel .LBB2_4-.Ltmp5, $2  }
0x134: {  	_ =	sdelay $0x2  }
0x135: {  	[tilespmem:s26+$0x1E0] =	vst v1  }
.LBB2_6:
0x136: {  	_ =	sfence.sel $0x180000  }
0x137: {  	[bflag:$0x0] =	sbarrier.arrive $0xFFFF  }
0x138: {  	_ =	strace $0x90000047  }
0x139: {  	s0 =	stileid.u32;
	[bflag:$0x2] =	sbarrier.arrive $0xFFFF  }
0x13a: {  	p0 =	sne.s32 s0, $0x0;
	s0 =	rddreg [dreg:$0x9]  }
0x13b: {  	s0 =	sadd.s32 @!p0 $0x100000, s0  }
0x13c: {  	[sflag:s0] =	ssyncadd.tile.s32 @!p0 $0x1;
	_ =	shalt  }
.Lfunc_end2:
_tile_overlayer_lowered:
.L_overlay_start_2:
0x13d: {  	(tag) =	ssettag $0x2  }
0x13e: {  	s0 =	rddreg [dreg:$0x0];
	s2 =	stileid.u32  }
0x13f: {  	s1 =	rddreg [dreg:$0x1];
	p0 =	sne.s32 s2, $0x0  }
0x140: {  	s3 =	rddreg [dreg:$0x2];
	[bflag:$0x3] =	sbarrier.arrive $0xFFFF;
	s2 =	simm.s32 @!p0 $0x1C02  }
0x141: {  	[timem:s3], [sflag:s2] =	dma.local @!p0 [hbm:s0], s1  }
0x142: {  	s0 =	simm.s32 @!p0 $0x2  }
0x143: {  	_ =	swait.ge @!p0 [sflag:s0], s1  }
0x144: {  	s1 =	ssub.s32 @!p0 $0x0, s1;
	[sflag:s0] =	ssyncset.done @!p0 $0x0  }
0x145: {  	[sflag:s0] =	ssyncadd.s32 @!p0 s1  }
0x146: {  	[bflag:$0x3] =	sbarrier.arrive $0xFFFF  }
0x147: {  	_ =	shalt  }

</sc_bundles>
